<compile_context>
chip_gen: v7x
topology: tpu7x:2x2x1
jax: 0.10.2.dev20260603
libtpu: 0.0.44.dev20260713+nightly
codegen_flags: <defaults>
</compile_context>

<pallas_src>
import functools

import jax
import jax.numpy as jnp
from jax import lax
from jax.experimental import pallas as pl
from jax.experimental.pallas import tpu as pltpu
from jax.experimental.pallas import tpu_sc as plsc

N = 100000
B = 1024
D = 128
H = 4
DH = D // H
H8 = 8
RW = D

NSPLIT = 2
NH = N // NSPLIT
NH_PAD = 51200
ROWS_PER_W = NH_PAD // 32
CHUNK = 160
BLK = 2000
NBLK_H = NH // BLK
W = 64


def _leaky(x):
    return jnp.where(x >= 0, x, 0.01 * x)


def _k0_body(snap_ref, wd_ref, bd_ref, semb_ref, cst_ref, embsum_ref,
             attnt_ref, sexp_ref, out_ref):
    f32 = jnp.float32
    fd = jnp.dot(snap_ref[...], wd_ref[...], preferred_element_type=f32)
    fd = fd + bd_ref[...]
    onehot = (cst_ref[...] == lax.broadcasted_iota(jnp.int32, (B, 16), 1))
    dst = jnp.dot(onehot.astype(f32), semb_ref[...], preferred_element_type=f32)
    for c in range(2):
        u = _leaky(dst + embsum_ref[c:c + 1, :]) * attnt_ref[...]
        et_exp = jnp.dot(u, sexp_ref[...], preferred_element_type=f32)
        fd_bits = lax.bitcast_convert_type(
            fd.astype(jnp.bfloat16).astype(f32), jnp.int32)
        et_bits = lax.bitcast_convert_type(
            et_exp.astype(jnp.bfloat16).astype(f32), jnp.int32)
        out_ref[c] = ((fd_bits >> 16) & 0xFFFF) | (et_bits & ~0xFFFF)


def _build_table(snapshots, W_dst, b_dst, snap_emb_pad, cst_col, emb_sum,
                 attnt_flat, Sexp):
    return pl.pallas_call(
        _k0_body,
        out_shape=jax.ShapeDtypeStruct((2, B, RW), jnp.int32),
    )(snapshots, W_dst, b_dst, snap_emb_pad, cst_col, emb_sum, attnt_flat,
      Sexp)


def _sc_gather(table, idx2_pad):
    info = plsc.get_sparse_core_info()
    nc = info.num_cores
    mesh = plsc.VectorSubcoreMesh(core_axis_name="c", subcore_axis_name="s")

    nch = ROWS_PER_W // CHUNK
    nbuf = 4

    @functools.partial(
        pl.kernel,
        mesh=mesh,
        out_type=jax.ShapeDtypeStruct((NH_PAD, RW), jnp.int32),
        scratch_types=[
            pltpu.VMEM_SHARED((2 * B, RW), jnp.int32),
            pltpu.VMEM((ROWS_PER_W,), jnp.int32),
            pltpu.VMEM((CHUNK, RW), jnp.int32),
            pltpu.VMEM((CHUNK, RW), jnp.int32),
            pltpu.VMEM((CHUNK, RW), jnp.int32),
            pltpu.VMEM((CHUNK, RW), jnp.int32),
            pltpu.SemaphoreType.DMA,
            pltpu.SemaphoreType.DMA,
            pltpu.SemaphoreType.DMA,
            pltpu.SemaphoreType.DMA,
            pltpu.SemaphoreType.DMA,
            pltpu.SemaphoreType.DMA,
            pltpu.SemaphoreType.DMA,
            pltpu.SemaphoreType.DMA,
        ],
    )
    def k1(table_hbm, idx_hbm, out_hbm, tbl_s, idx_v, rv0, rv1, rv2, rv3,
           g0, g1, g2, g3, w0, w1, w2, w3):
        sid = lax.axis_index("s")
        wid = sid * nc + lax.axis_index("c")
        base = wid * ROWS_PER_W

        @pl.when(sid == 0)
        def _():
            pltpu.sync_copy(table_hbm, tbl_s)
        plsc.subcore_barrier()
        rows_v = (rv0, rv1, rv2, rv3)
        gsem = (g0, g1, g2, g3)
        wsem = (w0, w1, w2, w3)

        pltpu.sync_copy(idx_hbm.at[pl.ds(base, ROWS_PER_W)], idx_v)
        lag = 2
        gcp = [None] * nch
        wcp = [None] * nch

        def _drain(k):
            bp = k % nbuf
            gcp[k].wait()
            wcp[k] = pltpu.async_copy(
                rows_v[bp], out_hbm.at[pl.ds(base + k * CHUNK, CHUNK)],
                wsem[bp])

        for k in range(nch):
            b = k % nbuf
            if k >= nbuf:
                wcp[k - nbuf].wait()
            gcp[k] = pltpu.async_copy(
                tbl_s.at[idx_v.at[pl.ds(k * CHUNK, CHUNK)]], rows_v[b],
                gsem[b])
            if k >= lag:
                _drain(k - lag)
        for k in range(max(0, nch - lag), nch):
            _drain(k)
        for k in range(max(0, nch - nbuf), nch):
            wcp[k].wait()

    return k1(table, idx2_pad)


def _k2_accum_body(first, scal_ref, papers_ref, g_ref, idx_ref, ws_ref,
                   bs_ref, attn_ref, sp_ref, st8_ref, numin_ref, sin_ref,
                   num_out, s_out):
    f32 = jnp.float32
    bf16 = jnp.bfloat16
    i = pl.program_id(0)

    @pl.when(i == 0)
    def _():
        if first:
            num_out[...] = jnp.zeros_like(num_out)
            s_out[...] = jnp.zeros_like(s_out)
        else:
            num_out[...] = numin_ref[...]
            s_out[...] = sin_ref[...]

    fs = jnp.dot(papers_ref[...].astype(bf16), ws_ref[...],
                 preferred_element_type=f32)
    fs = fs + bs_ref[...]
    g = g_ref[...]
    fd = lax.bitcast_convert_type(g << 16, f32)
    etx = lax.bitcast_convert_type(g & ~0xFFFF, f32)
    w = _leaky(fs + fd) * attn_ref[...] + etx
    e8 = jnp.dot(w, sp_ref[...], preferred_element_type=f32)
    ex8 = jnp.exp(jnp.minimum(e8, 60.0))
    y = fs * jnp.dot(ex8, st8_ref[...], preferred_element_type=f32)
    yb = y.astype(bf16)
    exb = ex8.astype(bf16)
    base = scal_ref[0, i]
    full = scal_ref[1, i]

    @pl.when(full == 0)
    def _():
        iota = lax.broadcasted_iota(jnp.int32, (W, BLK), 0) + base
        mask_t = (iota == idx_ref[0]).astype(bf16)
        num_out[pl.ds(base, W), :] += jnp.dot(mask_t, yb,
                                              preferred_element_type=f32)
        s_out[pl.ds(base, W), :] += jnp.dot(mask_t, exb,
                                            preferred_element_type=f32)

    @pl.when(full != 0)
    def _():
        iota = lax.broadcasted_iota(jnp.int32, (B, BLK), 0)
        mask_t = (iota == idx_ref[0]).astype(bf16)
        num_out[...] += jnp.dot(mask_t, yb, preferred_element_type=f32)
        s_out[...] += jnp.dot(mask_t, exb, preferred_element_type=f32)


def _half_pass(part, scal, papers_h, G, idx_row3, W_src_b, b_src2,
               attn_flat, SP, ST8, num_in, s_in):
    first = part == 0
    poff = part * NBLK_H
    grid_spec = pltpu.PrefetchScalarGridSpec(
        num_scalar_prefetch=1,
        grid=(NBLK_H,),
        in_specs=[
            pl.BlockSpec((BLK, D), lambda i, s: (i + poff, 0)),
            pl.BlockSpec((BLK, RW), lambda i, s: (i, 0)),
            pl.BlockSpec((1, 1, BLK), lambda i, s: (i, 0, 0)),
            pl.BlockSpec((D, D), lambda i, s: (0, 0)),
            pl.BlockSpec((1, D), lambda i, s: (0, 0)),
            pl.BlockSpec((1, D), lambda i, s: (0, 0)),
            pl.BlockSpec((D, H8), lambda i, s: (0, 0)),
            pl.BlockSpec((H8, D), lambda i, s: (0, 0)),
            pl.BlockSpec((B, D), lambda i, s: (0, 0)),
            pl.BlockSpec((B, H8), lambda i, s: (0, 0)),
        ],
        out_specs=(pl.BlockSpec((B, D), lambda i, s: (0, 0)),
                   pl.BlockSpec((B, H8), lambda i, s: (0, 0))),
        scratch_shapes=[],
    )
    return pl.pallas_call(
        functools.partial(_k2_accum_body, first),
        grid_spec=grid_spec,
        out_shape=(jax.ShapeDtypeStruct((B, D), jnp.float32),
                   jax.ShapeDtypeStruct((B, H8), jnp.float32)),
    )(scal, papers_h, G, idx_row3, W_src_b, b_src2, attn_flat, SP, ST8,
      num_in, s_in)


def _k3_body(num_ref, s_ref, st8_ref, wout_ref, bout_ref, out_ref):
    f32 = jnp.float32
    s_exp = jnp.dot(s_ref[...] + 1e-9, st8_ref[...],
                    preferred_element_type=f32)
    div = num_ref[...] / s_exp
    out_ref[...] = jnp.dot(div, wout_ref[...],
                           preferred_element_type=f32) + bout_ref[...]


def _finalize(num, s, ST8, W_out, b_out2):
    return pl.pallas_call(
        _k3_body,
        out_shape=jax.ShapeDtypeStruct((B, D), jnp.float32),
    )(num, s, ST8, W_out, b_out2)


def _win_scal(index_h):
    starts = index_h[::BLK]
    ends = index_h[BLK - 1::BLK]
    win_base = jnp.minimum(starts & ~7, B - W)
    win_full = (ends - win_base >= W).astype(jnp.int32)
    return jnp.stack([win_base, win_full])


def kernel(papers, snapshots, cur_snapshot_types, index, is_cite,
           W_src, b_src, W_dst, b_dst, W_out, b_out,
           attn, attn_t, snap_emb, emb_cite, emb_ref, emb_target):
    f32 = jnp.float32
    index = index.astype(jnp.int32)
    is_cite = is_cite.astype(jnp.int32)
    cst_col = cur_snapshot_types.astype(jnp.int32).reshape(B, 1)

    head_sel = (jnp.arange(D)[:, None] // DH ==
                jnp.arange(H8)[None, :]).astype(f32)
    SP = head_sel
    ST8 = head_sel.T
    Sexp = (head_sel[:, :H] @ head_sel[:, :H].T) / DH
    snap_emb_pad = jnp.zeros((16, D), f32).at[:snap_emb.shape[0]].set(snap_emb)
    emb_sum = emb_cite + emb_ref + emb_target
    attn_flat = attn.reshape(1, D)
    attnt_flat = attn_t.reshape(1, D)
    b_src2 = b_src.reshape(1, D)
    b_out2 = b_out.reshape(1, D)
    W_src_b = W_src.astype(jnp.bfloat16)

    table = _build_table(snapshots, W_dst, b_dst, snap_emb_pad, cst_col,
                         emb_sum, attnt_flat, Sexp).reshape(2 * B, RW)

    idx2 = is_cite * B + index
    pad_idx = jnp.arange(NH_PAD, dtype=jnp.int32) % (2 * B)
    idx2_pad4 = jnp.broadcast_to(pad_idx, (NSPLIT, NH_PAD))
    idx2_pad4 = idx2_pad4.at[:, :NH].set(idx2.reshape(NSPLIT, NH))
    Gs = [_sc_gather(table, idx2_pad4[p]) for p in range(NSPLIT)]

    starts = index[::BLK].reshape(NSPLIT, NBLK_H)
    ends = index[BLK - 1::BLK].reshape(NSPLIT, NBLK_H)
    win_base = jnp.minimum(starts & ~7, B - W)
    win_full = (ends - win_base >= W).astype(jnp.int32)
    scal4 = jnp.stack([win_base, win_full], axis=1)
    idx3 = index.reshape(NSPLIT, NBLK_H, 1, BLK)

    num = jnp.zeros((B, D), f32)
    s = jnp.zeros((B, H8), f32)
    for p in range(NSPLIT):
        num, s = _half_pass(p, scal4[p], papers, Gs[p], idx3[p], W_src_b,
                            b_src2, attn_flat, SP, ST8, num, s)
    return _finalize(num, s, ST8, W_out, b_out2)

# --- scband reference (transcript-rebuilt; emitter-appended) ---
"""Pipeline reference for scband-dhgcnencoder-26319559590622 (READ-ONLY COPY).

The authoritative reference and input builder live on the scoring server;
editing this copy changes nothing except your own understanding.
"""

import jax, jax.numpy as jnp
import numpy as np

N = 100000   # total paper nodes across batched graphs
B = 1024     # number of snapshot graphs in the batch
D = 128      # out_feats
H = 4        # n_heads
DH = D // H  # per-head dim
ST = 8       # snapshot_types


def setup_inputs(seed: int = 0) -> dict:
    key = jax.random.key(seed)
    ks = jax.random.split(key, 16)
    papers = jax.random.normal(ks[0], (N, D), dtype=jnp.float32)
    snapshots = jax.random.normal(ks[1], (B, D), dtype=jnp.float32)
    cur_snapshot_types = jax.random.randint(ks[2], (B,), 0, ST)
    index = jnp.sort(jax.random.randint(ks[3], (N,), 0, B))
    is_cite = jax.random.randint(ks[4], (N,), 0, 2)
    sc = 1.0 / np.sqrt(D)
    W_src = jax.random.normal(ks[5], (D, D), dtype=jnp.float32) * sc
    b_src = jnp.zeros((D,), dtype=jnp.float32)
    W_dst = jax.random.normal(ks[6], (D, D), dtype=jnp.float32) * sc
    b_dst = jnp.zeros((D,), dtype=jnp.float32)
    W_out = jax.random.normal(ks[7], (D, D), dtype=jnp.float32) * sc
    b_out = jnp.zeros((D,), dtype=jnp.float32)
    attn = jax.random.normal(ks[8], (1, H, DH), dtype=jnp.float32) * 0.1
    attn_t = jax.random.normal(ks[9], (1, H, DH), dtype=jnp.float32) * 0.1
    snap_emb = jax.random.normal(ks[10], (ST + 1, D), dtype=jnp.float32) * 0.02
    emb_cite = (jax.random.normal(ks[11], (2, D), dtype=jnp.float32) * 0.02).at[0].set(0.0)
    emb_ref = (jax.random.normal(ks[12], (2, D), dtype=jnp.float32) * 0.02).at[0].set(0.0)
    emb_target = (jax.random.normal(ks[13], (2, D), dtype=jnp.float32) * 0.02).at[0].set(0.0)
    return {
        'papers': papers, 'snapshots': snapshots,
        'cur_snapshot_types': cur_snapshot_types, 'index': index, 'is_cite': is_cite,
        'W_src': W_src, 'b_src': b_src, 'W_dst': W_dst, 'b_dst': b_dst,
        'W_out': W_out, 'b_out': b_out, 'attn': attn, 'attn_t': attn_t,
        'snap_emb': snap_emb, 'emb_cite': emb_cite, 'emb_ref': emb_ref, 'emb_target': emb_target,
    }


def _leaky(x):
    return jnp.where(x >= 0, x, 0.01 * x)


def _edge_softmax(e, seg, num_segments):
    m = jax.ops.segment_max(e, seg, num_segments=num_segments)
    m = jnp.where(jnp.isfinite(m), m, 0.0)
    ex = jnp.exp(e - m[seg])
    s = jax.ops.segment_sum(ex, seg, num_segments=num_segments)
    return ex / (s[seg] + 1e-9)


def reference(papers, snapshots, cur_snapshot_types, index, is_cite,
              W_src, b_src, W_dst, b_dst, W_out, b_out,
              attn, attn_t, snap_emb, emb_cite, emb_ref, emb_target):
    # SnapshotWeighter.forward (all nodes selected)
    feat_src = (papers @ W_src + b_src).reshape(-1, H, DH)
    # original code indexes all three attr embeddings with is_cite
    src_type_h = (emb_cite[is_cite] + emb_ref[is_cite] + emb_target[is_cite]).reshape(-1, H, DH)
    dst_type_h = snap_emb[cur_snapshot_types].reshape(-1, H, DH)
    feat_dst_all = (snapshots @ W_dst + b_dst).reshape(-1, H, DH)
    feat_dst = jnp.take(feat_dst_all, index, axis=0)
    e = _leaky(feat_src + feat_dst)
    e = (e * attn).sum(axis=-1)
    et = _leaky(src_type_h + jnp.take(dst_type_h, index, axis=0))
    et = (et * attn_t).sum(axis=-1)
    e = e + et  # [N, H]
    a = _edge_softmax(e, index, B)[..., None]  # [N, H, 1]
    x = feat_src * a
    sum_out = jax.ops.segment_sum(x, index, num_segments=B)  # [B, H, DH]
    out = sum_out.reshape(B, H * DH) @ W_out + b_out
    return out

if __name__ == "__main__":
    import jax
    _d = setup_inputs()
    print(jax.jit(kernel)(*tuple(_d.values())))

</pallas_src>

<mosaic_0001>
#map = affine_map<(d0, d1) -> (0, 0)>
#map1 = affine_map<(d0, d1) -> (0)>
module attributes {stable_mosaic.version = 14 : i64} {
  func.func @k1(%arg0: i32, %arg1: i32, %arg2: memref<2048x128xi32, #tpu.memory_space<hbm>>, %arg3: memref<51200xi32, #tpu.memory_space<hbm>>, %arg4: memref<51200x128xi32, #tpu.memory_space<hbm>>, %arg5: memref<2048x128xi32, #tpu.memory_space<vmem_shared>>, %arg6: memref<1600xi32, #tpu.memory_space<vmem>>, %arg7: memref<160x128xi32, #tpu.memory_space<vmem>>, %arg8: memref<160x128xi32, #tpu.memory_space<vmem>>, %arg9: memref<160x128xi32, #tpu.memory_space<vmem>>, %arg10: memref<160x128xi32, #tpu.memory_space<vmem>>, %arg11: memref<!tpu.dma_semaphore, #tpu.memory_space<semaphore_mem>>, %arg12: memref<!tpu.dma_semaphore, #tpu.memory_space<semaphore_mem>>, %arg13: memref<!tpu.dma_semaphore, #tpu.memory_space<semaphore_mem>>, %arg14: memref<!tpu.dma_semaphore, #tpu.memory_space<semaphore_mem>>, %arg15: memref<!tpu.dma_semaphore, #tpu.memory_space<semaphore_mem>>, %arg16: memref<!tpu.dma_semaphore, #tpu.memory_space<semaphore_mem>>, %arg17: memref<!tpu.dma_semaphore, #tpu.memory_space<semaphore_mem>>, %arg18: memref<!tpu.dma_semaphore, #tpu.memory_space<semaphore_mem>>) attributes {dimension_semantics = [#tpu.dimension_semantics<core_parallel>, #tpu.dimension_semantics<subcore_parallel>], iteration_bounds = array<i64: 2, 16>, scalar_prefetch = 0 : i64, scratch_operands = 14 : i64, tpu.core_type = #tpu.core_type<sc_vector_subcore>, window_params = [{transform_indices = #map}, {transform_indices = #map1}, {transform_indices = #map}]} {
    %mul3A = arith.constant 2 : i32
    %mul3A_0 = arith.muli %arg1, %mul3A : i32
    %add3A = arith.addi %mul3A_0, %arg0 : i32
    %mul3A_1 = arith.constant 1600 : i32
    %mul3A_2 = arith.muli %add3A, %mul3A_1 : i32
    %eq3A = arith.constant 0 : i32
    %eq3A_3 = arith.cmpi eq, %arg1, %eq3A : i32
    %convert_element_type3A = arith.extui %eq3A_3 : i1 to i32
    %cond3A = arith.constant 0 : i32
    %cond3A_4 = arith.cmpi ne, %convert_element_type3A, %cond3A : i32
    scf.if %cond3A_4 {
      "tpu.region"() ({
        %run_scoped3A = tpu.sem_alloc : memref<!tpu.dma_semaphore, #tpu.memory_space<semaphore_mem>>
        tpu.enqueue_dma source(%arg2 : memref<2048x128xi32, #tpu.memory_space<hbm>>) target(%arg5 : memref<2048x128xi32, #tpu.memory_space<vmem_shared>>) target_semaphore(%run_scoped3A : memref<!tpu.dma_semaphore, #tpu.memory_space<semaphore_mem>>)
        tpu.wait_dma2 semaphore(%run_scoped3A : memref<!tpu.dma_semaphore, #tpu.memory_space<semaphore_mem>>) src(%arg2 : memref<2048x128xi32, #tpu.memory_space<hbm>>) dst(%arg5 : memref<2048x128xi32, #tpu.memory_space<vmem_shared>>)
        tpu.yield
      }) : () -> ()
    } else {
    }
    %barrier3A = arith.constant 0 : index
    tpu.barrier barrier_id(%barrier3A)
    "tpu.region"() ({
      %run_scoped3A = tpu.sem_alloc : memref<!tpu.dma_semaphore, #tpu.memory_space<semaphore_mem>>
      %dma_start3A_203 = tpu.memref_slice %arg3[%mul3A_2] : memref<51200xi32, #tpu.memory_space<hbm>> -> memref<1600xi32, #tpu.memory_space<hbm>>
      %dma_start3A_204 = tpu.memref_slice %arg3[%mul3A_2] : memref<51200xi32, #tpu.memory_space<hbm>> -> memref<1600xi32, #tpu.memory_space<hbm>>
      tpu.enqueue_dma source(%dma_start3A_204 : memref<1600xi32, #tpu.memory_space<hbm>>) target(%arg6 : memref<1600xi32, #tpu.memory_space<vmem>>) target_semaphore(%run_scoped3A : memref<!tpu.dma_semaphore, #tpu.memory_space<semaphore_mem>>)
      %dma_wait3A_205 = tpu.memref_slice %arg3[%mul3A_2] : memref<51200xi32, #tpu.memory_space<hbm>> -> memref<1600xi32, #tpu.memory_space<hbm>>
      %dma_wait3A_206 = tpu.memref_slice %arg3[%mul3A_2] : memref<51200xi32, #tpu.memory_space<hbm>> -> memref<1600xi32, #tpu.memory_space<hbm>>
      tpu.wait_dma2 semaphore(%run_scoped3A : memref<!tpu.dma_semaphore, #tpu.memory_space<semaphore_mem>>) src(%dma_wait3A_206 : memref<1600xi32, #tpu.memory_space<hbm>>) dst(%arg6 : memref<1600xi32, #tpu.memory_space<vmem>>)
      tpu.yield
    }) : () -> ()
    %dma_start3A = arith.constant 0 : i32
    %dma_start3A_5 = tpu.memref_slice %arg6[%dma_start3A] : memref<1600xi32, #tpu.memory_space<vmem>> -> memref<160xi32, #tpu.memory_space<vmem>>
    %dma_start3A_6 = arith.constant 0 : i32
    %dma_start3A_7 = arith.constant 0 : i32
    %dma_start3A_8 = tpu.memref_slice %arg5[%dma_start3A_6, %dma_start3A_7] : memref<2048x128xi32, #tpu.memory_space<vmem_shared>> -> memref<2048x128xi32, #tpu.memory_space<vmem_shared>>
    tpu.enqueue_indirect_dma source(%dma_start3A_8 : memref<2048x128xi32, #tpu.memory_space<vmem_shared>>) target(%arg7 : memref<160x128xi32, #tpu.memory_space<vmem>>) offsets(%dma_start3A_5 : memref<160xi32, #tpu.memory_space<vmem>>) semaphore(%arg11 : memref<!tpu.dma_semaphore, #tpu.memory_space<semaphore_mem>>)
    %dma_start3A_9 = arith.constant 160 : i32
    %dma_start3A_10 = tpu.memref_slice %arg6[%dma_start3A_9] : memref<1600xi32, #tpu.memory_space<vmem>> -> memref<160xi32, #tpu.memory_space<vmem>>
    %dma_start3A_11 = arith.constant 0 : i32
    %dma_start3A_12 = arith.constant 0 : i32
    %dma_start3A_13 = tpu.memref_slice %arg5[%dma_start3A_11, %dma_start3A_12] : memref<2048x128xi32, #tpu.memory_space<vmem_shared>> -> memref<2048x128xi32, #tpu.memory_space<vmem_shared>>
    tpu.enqueue_indirect_dma source(%dma_start3A_13 : memref<2048x128xi32, #tpu.memory_space<vmem_shared>>) target(%arg8 : memref<160x128xi32, #tpu.memory_space<vmem>>) offsets(%dma_start3A_10 : memref<160xi32, #tpu.memory_space<vmem>>) semaphore(%arg12 : memref<!tpu.dma_semaphore, #tpu.memory_space<semaphore_mem>>)
    %dma_start3A_14 = arith.constant 320 : i32
    %dma_start3A_15 = tpu.memref_slice %arg6[%dma_start3A_14] : memref<1600xi32, #tpu.memory_space<vmem>> -> memref<160xi32, #tpu.memory_space<vmem>>
    %dma_start3A_16 = arith.constant 0 : i32
    %dma_start3A_17 = arith.constant 0 : i32
    %dma_start3A_18 = tpu.memref_slice %arg5[%dma_start3A_16, %dma_start3A_17] : memref<2048x128xi32, #tpu.memory_space<vmem_shared>> -> memref<2048x128xi32, #tpu.memory_space<vmem_shared>>
    tpu.enqueue_indirect_dma source(%dma_start3A_18 : memref<2048x128xi32, #tpu.memory_space<vmem_shared>>) target(%arg9 : memref<160x128xi32, #tpu.memory_space<vmem>>) offsets(%dma_start3A_15 : memref<160xi32, #tpu.memory_space<vmem>>) semaphore(%arg13 : memref<!tpu.dma_semaphore, #tpu.memory_space<semaphore_mem>>)
    %dma_wait3A = arith.constant 0 : i32
    %dma_wait3A_19 = tpu.memref_slice %arg6[%dma_wait3A] : memref<1600xi32, #tpu.memory_space<vmem>> -> memref<160xi32, #tpu.memory_space<vmem>>
    %dma_wait3A_20 = arith.constant 0 : i32
    %dma_wait3A_21 = arith.constant 0 : i32
    %dma_wait3A_22 = tpu.memref_slice %arg5[%dma_wait3A_20, %dma_wait3A_21] : memref<2048x128xi32, #tpu.memory_space<vmem_shared>> -> memref<2048x128xi32, #tpu.memory_space<vmem_shared>>
    tpu.wait_indirect_dma semaphore(%arg11 : memref<!tpu.dma_semaphore, #tpu.memory_space<semaphore_mem>>) src(%dma_wait3A_22 : memref<2048x128xi32, #tpu.memory_space<vmem_shared>>) dst(%arg7 : memref<160x128xi32, #tpu.memory_space<vmem>>)
    %add3A_23 = arith.constant 0 : i32
    %add3A_24 = arith.addi %mul3A_2, %add3A_23 : i32
    %dma_start3A_25 = arith.constant 0 : i32
    %dma_start3A_26 = tpu.memref_slice %arg4[%add3A_24, %dma_start3A_25] : memref<51200x128xi32, #tpu.memory_space<hbm>> -> memref<160x128xi32, #tpu.memory_space<hbm>>
    %dma_start3A_27 = arith.constant 0 : i32
    %dma_start3A_28 = tpu.memref_slice %arg4[%add3A_24, %dma_start3A_27] : memref<51200x128xi32, #tpu.memory_space<hbm>> -> memref<160x128xi32, #tpu.memory_space<hbm>>
    tpu.enqueue_dma source(%arg7 : memref<160x128xi32, #tpu.memory_space<vmem>>) target(%dma_start3A_28 : memref<160x128xi32, #tpu.memory_space<hbm>>) target_semaphore(%arg15 : memref<!tpu.dma_semaphore, #tpu.memory_space<semaphore_mem>>)
    %dma_start3A_29 = arith.constant 480 : i32
    %dma_start3A_30 = tpu.memref_slice %arg6[%dma_start3A_29] : memref<1600xi32, #tpu.memory_space<vmem>> -> memref<160xi32, #tpu.memory_space<vmem>>
    %dma_start3A_31 = arith.constant 0 : i32
    %dma_start3A_32 = arith.constant 0 : i32
    %dma_start3A_33 = tpu.memref_slice %arg5[%dma_start3A_31, %dma_start3A_32] : memref<2048x128xi32, #tpu.memory_space<vmem_shared>> -> memref<2048x128xi32, #tpu.memory_space<vmem_shared>>
    tpu.enqueue_indirect_dma source(%dma_start3A_33 : memref<2048x128xi32, #tpu.memory_space<vmem_shared>>) target(%arg10 : memref<160x128xi32, #tpu.memory_space<vmem>>) offsets(%dma_start3A_30 : memref<160xi32, #tpu.memory_space<vmem>>) semaphore(%arg14 : memref<!tpu.dma_semaphore, #tpu.memory_space<semaphore_mem>>)
    %dma_wait3A_34 = arith.constant 160 : i32
    %dma_wait3A_35 = tpu.memref_slice %arg6[%dma_wait3A_34] : memref<1600xi32, #tpu.memory_space<vmem>> -> memref<160xi32, #tpu.memory_space<vmem>>
    %dma_wait3A_36 = arith.constant 0 : i32
    %dma_wait3A_37 = arith.constant 0 : i32
    %dma_wait3A_38 = tpu.memref_slice %arg5[%dma_wait3A_36, %dma_wait3A_37] : memref<2048x128xi32, #tpu.memory_space<vmem_shared>> -> memref<2048x128xi32, #tpu.memory_space<vmem_shared>>
    tpu.wait_indirect_dma semaphore(%arg12 : memref<!tpu.dma_semaphore, #tpu.memory_space<semaphore_mem>>) src(%dma_wait3A_38 : memref<2048x128xi32, #tpu.memory_space<vmem_shared>>) dst(%arg8 : memref<160x128xi32, #tpu.memory_space<vmem>>)
    %add3A_39 = arith.constant 160 : i32
    %add3A_40 = arith.addi %mul3A_2, %add3A_39 : i32
    %dma_start3A_41 = arith.constant 0 : i32
    %dma_start3A_42 = tpu.memref_slice %arg4[%add3A_40, %dma_start3A_41] : memref<51200x128xi32, #tpu.memory_space<hbm>> -> memref<160x128xi32, #tpu.memory_space<hbm>>
    %dma_start3A_43 = arith.constant 0 : i32
    %dma_start3A_44 = tpu.memref_slice %arg4[%add3A_40, %dma_start3A_43] : memref<51200x128xi32, #tpu.memory_space<hbm>> -> memref<160x128xi32, #tpu.memory_space<hbm>>
    tpu.enqueue_dma source(%arg8 : memref<160x128xi32, #tpu.memory_space<vmem>>) target(%dma_start3A_44 : memref<160x128xi32, #tpu.memory_space<hbm>>) target_semaphore(%arg16 : memref<!tpu.dma_semaphore, #tpu.memory_space<semaphore_mem>>)
    %dma_wait3A_45 = arith.constant 0 : i32
    %dma_wait3A_46 = tpu.memref_slice %arg4[%add3A_24, %dma_wait3A_45] : memref<51200x128xi32, #tpu.memory_space<hbm>> -> memref<160x128xi32, #tpu.memory_space<hbm>>
    %dma_wait3A_47 = arith.constant 0 : i32
    %dma_wait3A_48 = tpu.memref_slice %arg4[%add3A_24, %dma_wait3A_47] : memref<51200x128xi32, #tpu.memory_space<hbm>> -> memref<160x128xi32, #tpu.memory_space<hbm>>
    tpu.wait_dma2 semaphore(%arg15 : memref<!tpu.dma_semaphore, #tpu.memory_space<semaphore_mem>>) src(%arg7 : memref<160x128xi32, #tpu.memory_space<vmem>>) dst(%dma_wait3A_48 : memref<160x128xi32, #tpu.memory_space<hbm>>)
    %dma_start3A_49 = arith.constant 640 : i32
    %dma_start3A_50 = tpu.memref_slice %arg6[%dma_start3A_49] : memref<1600xi32, #tpu.memory_space<vmem>> -> memref<160xi32, #tpu.memory_space<vmem>>
    %dma_start3A_51 = arith.constant 0 : i32
    %dma_start3A_52 = arith.constant 0 : i32
    %dma_start3A_53 = tpu.memref_slice %arg5[%dma_start3A_51, %dma_start3A_52] : memref<2048x128xi32, #tpu.memory_space<vmem_shared>> -> memref<2048x128xi32, #tpu.memory_space<vmem_shared>>
    tpu.enqueue_indirect_dma source(%dma_start3A_53 : memref<2048x128xi32, #tpu.memory_space<vmem_shared>>) target(%arg7 : memref<160x128xi32, #tpu.memory_space<vmem>>) offsets(%dma_start3A_50 : memref<160xi32, #tpu.memory_space<vmem>>) semaphore(%arg11 : memref<!tpu.dma_semaphore, #tpu.memory_space<semaphore_mem>>)
    %dma_wait3A_54 = arith.constant 320 : i32
    %dma_wait3A_55 = tpu.memref_slice %arg6[%dma_wait3A_54] : memref<1600xi32, #tpu.memory_space<vmem>> -> memref<160xi32, #tpu.memory_space<vmem>>
    %dma_wait3A_56 = arith.constant 0 : i32
    %dma_wait3A_57 = arith.constant 0 : i32
    %dma_wait3A_58 = tpu.memref_slice %arg5[%dma_wait3A_56, %dma_wait3A_57] : memref<2048x128xi32, #tpu.memory_space<vmem_shared>> -> memref<2048x128xi32, #tpu.memory_space<vmem_shared>>
    tpu.wait_indirect_dma semaphore(%arg13 : memref<!tpu.dma_semaphore, #tpu.memory_space<semaphore_mem>>) src(%dma_wait3A_58 : memref<2048x128xi32, #tpu.memory_space<vmem_shared>>) dst(%arg9 : memref<160x128xi32, #tpu.memory_space<vmem>>)
    %add3A_59 = arith.constant 320 : i32
    %add3A_60 = arith.addi %mul3A_2, %add3A_59 : i32
    %dma_start3A_61 = arith.constant 0 : i32
    %dma_start3A_62 = tpu.memref_slice %arg4[%add3A_60, %dma_start3A_61] : memref<51200x128xi32, #tpu.memory_space<hbm>> -> memref<160x128xi32, #tpu.memory_space<hbm>>
    %dma_start3A_63 = arith.constant 0 : i32
    %dma_start3A_64 = tpu.memref_slice %arg4[%add3A_60, %dma_start3A_63] : memref<51200x128xi32, #tpu.memory_space<hbm>> -> memref<160x128xi32, #tpu.memory_space<hbm>>
    tpu.enqueue_dma source(%arg9 : memref<160x128xi32, #tpu.memory_space<vmem>>) target(%dma_start3A_64 : memref<160x128xi32, #tpu.memory_space<hbm>>) target_semaphore(%arg17 : memref<!tpu.dma_semaphore, #tpu.memory_space<semaphore_mem>>)
    %dma_wait3A_65 = arith.constant 0 : i32
    %dma_wait3A_66 = tpu.memref_slice %arg4[%add3A_40, %dma_wait3A_65] : memref<51200x128xi32, #tpu.memory_space<hbm>> -> memref<160x128xi32, #tpu.memory_space<hbm>>
    %dma_wait3A_67 = arith.constant 0 : i32
    %dma_wait3A_68 = tpu.memref_slice %arg4[%add3A_40, %dma_wait3A_67] : memref<51200x128xi32, #tpu.memory_space<hbm>> -> memref<160x128xi32, #tpu.memory_space<hbm>>
    tpu.wait_dma2 semaphore(%arg16 : memref<!tpu.dma_semaphore, #tpu.memory_space<semaphore_mem>>) src(%arg8 : memref<160x128xi32, #tpu.memory_space<vmem>>) dst(%dma_wait3A_68 : memref<160x128xi32, #tpu.memory_space<hbm>>)
    %dma_start3A_69 = arith.constant 800 : i32
    %dma_start3A_70 = tpu.memref_slice %arg6[%dma_start3A_69] : memref<1600xi32, #tpu.memory_space<vmem>> -> memref<160xi32, #tpu.memory_space<vmem>>
    %dma_start3A_71 = arith.constant 0 : i32
    %dma_start3A_72 = arith.constant 0 : i32
    %dma_start3A_73 = tpu.memref_slice %arg5[%dma_start3A_71, %dma_start3A_72] : memref<2048x128xi32, #tpu.memory_space<vmem_shared>> -> memref<2048x128xi32, #tpu.memory_space<vmem_shared>>
    tpu.enqueue_indirect_dma source(%dma_start3A_73 : memref<2048x128xi32, #tpu.memory_space<vmem_shared>>) target(%arg8 : memref<160x128xi32, #tpu.memory_space<vmem>>) offsets(%dma_start3A_70 : memref<160xi32, #tpu.memory_space<vmem>>) semaphore(%arg12 : memref<!tpu.dma_semaphore, #tpu.memory_space<semaphore_mem>>)
    %dma_wait3A_74 = arith.constant 480 : i32
    %dma_wait3A_75 = tpu.memref_slice %arg6[%dma_wait3A_74] : memref<1600xi32, #tpu.memory_space<vmem>> -> memref<160xi32, #tpu.memory_space<vmem>>
    %dma_wait3A_76 = arith.constant 0 : i32
    %dma_wait3A_77 = arith.constant 0 : i32
    %dma_wait3A_78 = tpu.memref_slice %arg5[%dma_wait3A_76, %dma_wait3A_77] : memref<2048x128xi32, #tpu.memory_space<vmem_shared>> -> memref<2048x128xi32, #tpu.memory_space<vmem_shared>>
    tpu.wait_indirect_dma semaphore(%arg14 : memref<!tpu.dma_semaphore, #tpu.memory_space<semaphore_mem>>) src(%dma_wait3A_78 : memref<2048x128xi32, #tpu.memory_space<vmem_shared>>) dst(%arg10 : memref<160x128xi32, #tpu.memory_space<vmem>>)
    %add3A_79 = arith.constant 480 : i32
    %add3A_80 = arith.addi %mul3A_2, %add3A_79 : i32
    %dma_start3A_81 = arith.constant 0 : i32
    %dma_start3A_82 = tpu.memref_slice %arg4[%add3A_80, %dma_start3A_81] : memref<51200x128xi32, #tpu.memory_space<hbm>> -> memref<160x128xi32, #tpu.memory_space<hbm>>
    %dma_start3A_83 = arith.constant 0 : i32
    %dma_start3A_84 = tpu.memref_slice %arg4[%add3A_80, %dma_start3A_83] : memref<51200x128xi32, #tpu.memory_space<hbm>> -> memref<160x128xi32, #tpu.memory_space<hbm>>
    tpu.enqueue_dma source(%arg10 : memref<160x128xi32, #tpu.memory_space<vmem>>) target(%dma_start3A_84 : memref<160x128xi32, #tpu.memory_space<hbm>>) target_semaphore(%arg18 : memref<!tpu.dma_semaphore, #tpu.memory_space<semaphore_mem>>)
    %dma_wait3A_85 = arith.constant 0 : i32
    %dma_wait3A_86 = tpu.memref_slice %arg4[%add3A_60, %dma_wait3A_85] : memref<51200x128xi32, #tpu.memory_space<hbm>> -> memref<160x128xi32, #tpu.memory_space<hbm>>
    %dma_wait3A_87 = arith.constant 0 : i32
    %dma_wait3A_88 = tpu.memref_slice %arg4[%add3A_60, %dma_wait3A_87] : memref<51200x128xi32, #tpu.memory_space<hbm>> -> memref<160x128xi32, #tpu.memory_space<hbm>>
    tpu.wait_dma2 semaphore(%arg17 : memref<!tpu.dma_semaphore, #tpu.memory_space<semaphore_mem>>) src(%arg9 : memref<160x128xi32, #tpu.memory_space<vmem>>) dst(%dma_wait3A_88 : memref<160x128xi32, #tpu.memory_space<hbm>>)
    %dma_start3A_89 = arith.constant 960 : i32
    %dma_start3A_90 = tpu.memref_slice %arg6[%dma_start3A_89] : memref<1600xi32, #tpu.memory_space<vmem>> -> memref<160xi32, #tpu.memory_space<vmem>>
    %dma_start3A_91 = arith.constant 0 : i32
    %dma_start3A_92 = arith.constant 0 : i32
    %dma_start3A_93 = tpu.memref_slice %arg5[%dma_start3A_91, %dma_start3A_92] : memref<2048x128xi32, #tpu.memory_space<vmem_shared>> -> memref<2048x128xi32, #tpu.memory_space<vmem_shared>>
    tpu.enqueue_indirect_dma source(%dma_start3A_93 : memref<2048x128xi32, #tpu.memory_space<vmem_shared>>) target(%arg9 : memref<160x128xi32, #tpu.memory_space<vmem>>) offsets(%dma_start3A_90 : memref<160xi32, #tpu.memory_space<vmem>>) semaphore(%arg13 : memref<!tpu.dma_semaphore, #tpu.memory_space<semaphore_mem>>)
    %dma_wait3A_94 = arith.constant 640 : i32
    %dma_wait3A_95 = tpu.memref_slice %arg6[%dma_wait3A_94] : memref<1600xi32, #tpu.memory_space<vmem>> -> memref<160xi32, #tpu.memory_space<vmem>>
    %dma_wait3A_96 = arith.constant 0 : i32
    %dma_wait3A_97 = arith.constant 0 : i32
    %dma_wait3A_98 = tpu.memref_slice %arg5[%dma_wait3A_96, %dma_wait3A_97] : memref<2048x128xi32, #tpu.memory_space<vmem_shared>> -> memref<2048x128xi32, #tpu.memory_space<vmem_shared>>
    tpu.wait_indirect_dma semaphore(%arg11 : memref<!tpu.dma_semaphore, #tpu.memory_space<semaphore_mem>>) src(%dma_wait3A_98 : memref<2048x128xi32, #tpu.memory_space<vmem_shared>>) dst(%arg7 : memref<160x128xi32, #tpu.memory_space<vmem>>)
    %add3A_99 = arith.constant 640 : i32
    %add3A_100 = arith.addi %mul3A_2, %add3A_99 : i32
    %dma_start3A_101 = arith.constant 0 : i32
    %dma_start3A_102 = tpu.memref_slice %arg4[%add3A_100, %dma_start3A_101] : memref<51200x128xi32, #tpu.memory_space<hbm>> -> memref<160x128xi32, #tpu.memory_space<hbm>>
    %dma_start3A_103 = arith.constant 0 : i32
    %dma_start3A_104 = tpu.memref_slice %arg4[%add3A_100, %dma_start3A_103] : memref<51200x128xi32, #tpu.memory_space<hbm>> -> memref<160x128xi32, #tpu.memory_space<hbm>>
    tpu.enqueue_dma source(%arg7 : memref<160x128xi32, #tpu.memory_space<vmem>>) target(%dma_start3A_104 : memref<160x128xi32, #tpu.memory_space<hbm>>) target_semaphore(%arg15 : memref<!tpu.dma_semaphore, #tpu.memory_space<semaphore_mem>>)
    %dma_wait3A_105 = arith.constant 0 : i32
    %dma_wait3A_106 = tpu.memref_slice %arg4[%add3A_80, %dma_wait3A_105] : memref<51200x128xi32, #tpu.memory_space<hbm>> -> memref<160x128xi32, #tpu.memory_space<hbm>>
    %dma_wait3A_107 = arith.constant 0 : i32
    %dma_wait3A_108 = tpu.memref_slice %arg4[%add3A_80, %dma_wait3A_107] : memref<51200x128xi32, #tpu.memory_space<hbm>> -> memref<160x128xi32, #tpu.memory_space<hbm>>
    tpu.wait_dma2 semaphore(%arg18 : memref<!tpu.dma_semaphore, #tpu.memory_space<semaphore_mem>>) src(%arg10 : memref<160x128xi32, #tpu.memory_space<vmem>>) dst(%dma_wait3A_108 : memref<160x128xi32, #tpu.memory_space<hbm>>)
    %dma_start3A_109 = arith.constant 1120 : i32
    %dma_start3A_110 = tpu.memref_slice %arg6[%dma_start3A_109] : memref<1600xi32, #tpu.memory_space<vmem>> -> memref<160xi32, #tpu.memory_space<vmem>>
    %dma_start3A_111 = arith.constant 0 : i32
    %dma_start3A_112 = arith.constant 0 : i32
    %dma_start3A_113 = tpu.memref_slice %arg5[%dma_start3A_111, %dma_start3A_112] : memref<2048x128xi32, #tpu.memory_space<vmem_shared>> -> memref<2048x128xi32, #tpu.memory_space<vmem_shared>>
    tpu.enqueue_indirect_dma source(%dma_start3A_113 : memref<2048x128xi32, #tpu.memory_space<vmem_shared>>) target(%arg10 : memref<160x128xi32, #tpu.memory_space<vmem>>) offsets(%dma_start3A_110 : memref<160xi32, #tpu.memory_space<vmem>>) semaphore(%arg14 : memref<!tpu.dma_semaphore, #tpu.memory_space<semaphore_mem>>)
    %dma_wait3A_114 = arith.constant 800 : i32
    %dma_wait3A_115 = tpu.memref_slice %arg6[%dma_wait3A_114] : memref<1600xi32, #tpu.memory_space<vmem>> -> memref<160xi32, #tpu.memory_space<vmem>>
    %dma_wait3A_116 = arith.constant 0 : i32
    %dma_wait3A_117 = arith.constant 0 : i32
    %dma_wait3A_118 = tpu.memref_slice %arg5[%dma_wait3A_116, %dma_wait3A_117] : memref<2048x128xi32, #tpu.memory_space<vmem_shared>> -> memref<2048x128xi32, #tpu.memory_space<vmem_shared>>
    tpu.wait_indirect_dma semaphore(%arg12 : memref<!tpu.dma_semaphore, #tpu.memory_space<semaphore_mem>>) src(%dma_wait3A_118 : memref<2048x128xi32, #tpu.memory_space<vmem_shared>>) dst(%arg8 : memref<160x128xi32, #tpu.memory_space<vmem>>)
    %add3A_119 = arith.constant 800 : i32
    %add3A_120 = arith.addi %mul3A_2, %add3A_119 : i32
    %dma_start3A_121 = arith.constant 0 : i32
    %dma_start3A_122 = tpu.memref_slice %arg4[%add3A_120, %dma_start3A_121] : memref<51200x128xi32, #tpu.memory_space<hbm>> -> memref<160x128xi32, #tpu.memory_space<hbm>>
    %dma_start3A_123 = arith.constant 0 : i32
    %dma_start3A_124 = tpu.memref_slice %arg4[%add3A_120, %dma_start3A_123] : memref<51200x128xi32, #tpu.memory_space<hbm>> -> memref<160x128xi32, #tpu.memory_space<hbm>>
    tpu.enqueue_dma source(%arg8 : memref<160x128xi32, #tpu.memory_space<vmem>>) target(%dma_start3A_124 : memref<160x128xi32, #tpu.memory_space<hbm>>) target_semaphore(%arg16 : memref<!tpu.dma_semaphore, #tpu.memory_space<semaphore_mem>>)
    %dma_wait3A_125 = arith.constant 0 : i32
    %dma_wait3A_126 = tpu.memref_slice %arg4[%add3A_100, %dma_wait3A_125] : memref<51200x128xi32, #tpu.memory_space<hbm>> -> memref<160x128xi32, #tpu.memory_space<hbm>>
    %dma_wait3A_127 = arith.constant 0 : i32
    %dma_wait3A_128 = tpu.memref_slice %arg4[%add3A_100, %dma_wait3A_127] : memref<51200x128xi32, #tpu.memory_space<hbm>> -> memref<160x128xi32, #tpu.memory_space<hbm>>
    tpu.wait_dma2 semaphore(%arg15 : memref<!tpu.dma_semaphore, #tpu.memory_space<semaphore_mem>>) src(%arg7 : memref<160x128xi32, #tpu.memory_space<vmem>>) dst(%dma_wait3A_128 : memref<160x128xi32, #tpu.memory_space<hbm>>)
    %dma_start3A_129 = arith.constant 1280 : i32
    %dma_start3A_130 = tpu.memref_slice %arg6[%dma_start3A_129] : memref<1600xi32, #tpu.memory_space<vmem>> -> memref<160xi32, #tpu.memory_space<vmem>>
    %dma_start3A_131 = arith.constant 0 : i32
    %dma_start3A_132 = arith.constant 0 : i32
    %dma_start3A_133 = tpu.memref_slice %arg5[%dma_start3A_131, %dma_start3A_132] : memref<2048x128xi32, #tpu.memory_space<vmem_shared>> -> memref<2048x128xi32, #tpu.memory_space<vmem_shared>>
    tpu.enqueue_indirect_dma source(%dma_start3A_133 : memref<2048x128xi32, #tpu.memory_space<vmem_shared>>) target(%arg7 : memref<160x128xi32, #tpu.memory_space<vmem>>) offsets(%dma_start3A_130 : memref<160xi32, #tpu.memory_space<vmem>>) semaphore(%arg11 : memref<!tpu.dma_semaphore, #tpu.memory_space<semaphore_mem>>)
    %dma_wait3A_134 = arith.constant 960 : i32
    %dma_wait3A_135 = tpu.memref_slice %arg6[%dma_wait3A_134] : memref<1600xi32, #tpu.memory_space<vmem>> -> memref<160xi32, #tpu.memory_space<vmem>>
    %dma_wait3A_136 = arith.constant 0 : i32
    %dma_wait3A_137 = arith.constant 0 : i32
    %dma_wait3A_138 = tpu.memref_slice %arg5[%dma_wait3A_136, %dma_wait3A_137] : memref<2048x128xi32, #tpu.memory_space<vmem_shared>> -> memref<2048x128xi32, #tpu.memory_space<vmem_shared>>
    tpu.wait_indirect_dma semaphore(%arg13 : memref<!tpu.dma_semaphore, #tpu.memory_space<semaphore_mem>>) src(%dma_wait3A_138 : memref<2048x128xi32, #tpu.memory_space<vmem_shared>>) dst(%arg9 : memref<160x128xi32, #tpu.memory_space<vmem>>)
    %add3A_139 = arith.constant 960 : i32
    %add3A_140 = arith.addi %mul3A_2, %add3A_139 : i32
    %dma_start3A_141 = arith.constant 0 : i32
    %dma_start3A_142 = tpu.memref_slice %arg4[%add3A_140, %dma_start3A_141] : memref<51200x128xi32, #tpu.memory_space<hbm>> -> memref<160x128xi32, #tpu.memory_space<hbm>>
    %dma_start3A_143 = arith.constant 0 : i32
    %dma_start3A_144 = tpu.memref_slice %arg4[%add3A_140, %dma_start3A_143] : memref<51200x128xi32, #tpu.memory_space<hbm>> -> memref<160x128xi32, #tpu.memory_space<hbm>>
    tpu.enqueue_dma source(%arg9 : memref<160x128xi32, #tpu.memory_space<vmem>>) target(%dma_start3A_144 : memref<160x128xi32, #tpu.memory_space<hbm>>) target_semaphore(%arg17 : memref<!tpu.dma_semaphore, #tpu.memory_space<semaphore_mem>>)
    %dma_wait3A_145 = arith.constant 0 : i32
    %dma_wait3A_146 = tpu.memref_slice %arg4[%add3A_120, %dma_wait3A_145] : memref<51200x128xi32, #tpu.memory_space<hbm>> -> memref<160x128xi32, #tpu.memory_space<hbm>>
    %dma_wait3A_147 = arith.constant 0 : i32
    %dma_wait3A_148 = tpu.memref_slice %arg4[%add3A_120, %dma_wait3A_147] : memref<51200x128xi32, #tpu.memory_space<hbm>> -> memref<160x128xi32, #tpu.memory_space<hbm>>
    tpu.wait_dma2 semaphore(%arg16 : memref<!tpu.dma_semaphore, #tpu.memory_space<semaphore_mem>>) src(%arg8 : memref<160x128xi32, #tpu.memory_space<vmem>>) dst(%dma_wait3A_148 : memref<160x128xi32, #tpu.memory_space<hbm>>)
    %dma_start3A_149 = arith.constant 1440 : i32
    %dma_start3A_150 = tpu.memref_slice %arg6[%dma_start3A_149] : memref<1600xi32, #tpu.memory_space<vmem>> -> memref<160xi32, #tpu.memory_space<vmem>>
    %dma_start3A_151 = arith.constant 0 : i32
    %dma_start3A_152 = arith.constant 0 : i32
    %dma_start3A_153 = tpu.memref_slice %arg5[%dma_start3A_151, %dma_start3A_152] : memref<2048x128xi32, #tpu.memory_space<vmem_shared>> -> memref<2048x128xi32, #tpu.memory_space<vmem_shared>>
    tpu.enqueue_indirect_dma source(%dma_start3A_153 : memref<2048x128xi32, #tpu.memory_space<vmem_shared>>) target(%arg8 : memref<160x128xi32, #tpu.memory_space<vmem>>) offsets(%dma_start3A_150 : memref<160xi32, #tpu.memory_space<vmem>>) semaphore(%arg12 : memref<!tpu.dma_semaphore, #tpu.memory_space<semaphore_mem>>)
    %dma_wait3A_154 = arith.constant 1120 : i32
    %dma_wait3A_155 = tpu.memref_slice %arg6[%dma_wait3A_154] : memref<1600xi32, #tpu.memory_space<vmem>> -> memref<160xi32, #tpu.memory_space<vmem>>
    %dma_wait3A_156 = arith.constant 0 : i32
    %dma_wait3A_157 = arith.constant 0 : i32
    %dma_wait3A_158 = tpu.memref_slice %arg5[%dma_wait3A_156, %dma_wait3A_157] : memref<2048x128xi32, #tpu.memory_space<vmem_shared>> -> memref<2048x128xi32, #tpu.memory_space<vmem_shared>>
    tpu.wait_indirect_dma semaphore(%arg14 : memref<!tpu.dma_semaphore, #tpu.memory_space<semaphore_mem>>) src(%dma_wait3A_158 : memref<2048x128xi32, #tpu.memory_space<vmem_shared>>) dst(%arg10 : memref<160x128xi32, #tpu.memory_space<vmem>>)
    %add3A_159 = arith.constant 1120 : i32
    %add3A_160 = arith.addi %mul3A_2, %add3A_159 : i32
    %dma_start3A_161 = arith.constant 0 : i32
    %dma_start3A_162 = tpu.memref_slice %arg4[%add3A_160, %dma_start3A_161] : memref<51200x128xi32, #tpu.memory_space<hbm>> -> memref<160x128xi32, #tpu.memory_space<hbm>>
    %dma_start3A_163 = arith.constant 0 : i32
    %dma_start3A_164 = tpu.memref_slice %arg4[%add3A_160, %dma_start3A_163] : memref<51200x128xi32, #tpu.memory_space<hbm>> -> memref<160x128xi32, #tpu.memory_space<hbm>>
    tpu.enqueue_dma source(%arg10 : memref<160x128xi32, #tpu.memory_space<vmem>>) target(%dma_start3A_164 : memref<160x128xi32, #tpu.memory_space<hbm>>) target_semaphore(%arg18 : memref<!tpu.dma_semaphore, #tpu.memory_space<semaphore_mem>>)
    %dma_wait3A_165 = arith.constant 1280 : i32
    %dma_wait3A_166 = tpu.memref_slice %arg6[%dma_wait3A_165] : memref<1600xi32, #tpu.memory_space<vmem>> -> memref<160xi32, #tpu.memory_space<vmem>>
    %dma_wait3A_167 = arith.constant 0 : i32
    %dma_wait3A_168 = arith.constant 0 : i32
    %dma_wait3A_169 = tpu.memref_slice %arg5[%dma_wait3A_167, %dma_wait3A_168] : memref<2048x128xi32, #tpu.memory_space<vmem_shared>> -> memref<2048x128xi32, #tpu.memory_space<vmem_shared>>
    tpu.wait_indirect_dma semaphore(%arg11 : memref<!tpu.dma_semaphore, #tpu.memory_space<semaphore_mem>>) src(%dma_wait3A_169 : memref<2048x128xi32, #tpu.memory_space<vmem_shared>>) dst(%arg7 : memref<160x128xi32, #tpu.memory_space<vmem>>)
    %add3A_170 = arith.constant 1280 : i32
    %add3A_171 = arith.addi %mul3A_2, %add3A_170 : i32
    %dma_start3A_172 = arith.constant 0 : i32
    %dma_start3A_173 = tpu.memref_slice %arg4[%add3A_171, %dma_start3A_172] : memref<51200x128xi32, #tpu.memory_space<hbm>> -> memref<160x128xi32, #tpu.memory_space<hbm>>
    %dma_start3A_174 = arith.constant 0 : i32
    %dma_start3A_175 = tpu.memref_slice %arg4[%add3A_171, %dma_start3A_174] : memref<51200x128xi32, #tpu.memory_space<hbm>> -> memref<160x128xi32, #tpu.memory_space<hbm>>
    tpu.enqueue_dma source(%arg7 : memref<160x128xi32, #tpu.memory_space<vmem>>) target(%dma_start3A_175 : memref<160x128xi32, #tpu.memory_space<hbm>>) target_semaphore(%arg15 : memref<!tpu.dma_semaphore, #tpu.memory_space<semaphore_mem>>)
    %dma_wait3A_176 = arith.constant 1440 : i32
    %dma_wait3A_177 = tpu.memref_slice %arg6[%dma_wait3A_176] : memref<1600xi32, #tpu.memory_space<vmem>> -> memref<160xi32, #tpu.memory_space<vmem>>
    %dma_wait3A_178 = arith.constant 0 : i32
    %dma_wait3A_179 = arith.constant 0 : i32
    %dma_wait3A_180 = tpu.memref_slice %arg5[%dma_wait3A_178, %dma_wait3A_179] : memref<2048x128xi32, #tpu.memory_space<vmem_shared>> -> memref<2048x128xi32, #tpu.memory_space<vmem_shared>>
    tpu.wait_indirect_dma semaphore(%arg12 : memref<!tpu.dma_semaphore, #tpu.memory_space<semaphore_mem>>) src(%dma_wait3A_180 : memref<2048x128xi32, #tpu.memory_space<vmem_shared>>) dst(%arg8 : memref<160x128xi32, #tpu.memory_space<vmem>>)
    %add3A_181 = arith.constant 1440 : i32
    %add3A_182 = arith.addi %mul3A_2, %add3A_181 : i32
    %dma_start3A_183 = arith.constant 0 : i32
    %dma_start3A_184 = tpu.memref_slice %arg4[%add3A_182, %dma_start3A_183] : memref<51200x128xi32, #tpu.memory_space<hbm>> -> memref<160x128xi32, #tpu.memory_space<hbm>>
    %dma_start3A_185 = arith.constant 0 : i32
    %dma_start3A_186 = tpu.memref_slice %arg4[%add3A_182, %dma_start3A_185] : memref<51200x128xi32, #tpu.memory_space<hbm>> -> memref<160x128xi32, #tpu.memory_space<hbm>>
    tpu.enqueue_dma source(%arg8 : memref<160x128xi32, #tpu.memory_space<vmem>>) target(%dma_start3A_186 : memref<160x128xi32, #tpu.memory_space<hbm>>) target_semaphore(%arg16 : memref<!tpu.dma_semaphore, #tpu.memory_space<semaphore_mem>>)
    %dma_wait3A_187 = arith.constant 0 : i32
    %dma_wait3A_188 = tpu.memref_slice %arg4[%add3A_140, %dma_wait3A_187] : memref<51200x128xi32, #tpu.memory_space<hbm>> -> memref<160x128xi32, #tpu.memory_space<hbm>>
    %dma_wait3A_189 = arith.constant 0 : i32
    %dma_wait3A_190 = tpu.memref_slice %arg4[%add3A_140, %dma_wait3A_189] : memref<51200x128xi32, #tpu.memory_space<hbm>> -> memref<160x128xi32, #tpu.memory_space<hbm>>
    tpu.wait_dma2 semaphore(%arg17 : memref<!tpu.dma_semaphore, #tpu.memory_space<semaphore_mem>>) src(%arg9 : memref<160x128xi32, #tpu.memory_space<vmem>>) dst(%dma_wait3A_190 : memref<160x128xi32, #tpu.memory_space<hbm>>)
    %dma_wait3A_191 = arith.constant 0 : i32
    %dma_wait3A_192 = tpu.memref_slice %arg4[%add3A_160, %dma_wait3A_191] : memref<51200x128xi32, #tpu.memory_space<hbm>> -> memref<160x128xi32, #tpu.memory_space<hbm>>
    %dma_wait3A_193 = arith.constant 0 : i32
    %dma_wait3A_194 = tpu.memref_slice %arg4[%add3A_160, %dma_wait3A_193] : memref<51200x128xi32, #tpu.memory_space<hbm>> -> memref<160x128xi32, #tpu.memory_space<hbm>>
    tpu.wait_dma2 semaphore(%arg18 : memref<!tpu.dma_semaphore, #tpu.memory_space<semaphore_mem>>) src(%arg10 : memref<160x128xi32, #tpu.memory_space<vmem>>) dst(%dma_wait3A_194 : memref<160x128xi32, #tpu.memory_space<hbm>>)
    %dma_wait3A_195 = arith.constant 0 : i32
    %dma_wait3A_196 = tpu.memref_slice %arg4[%add3A_171, %dma_wait3A_195] : memref<51200x128xi32, #tpu.memory_space<hbm>> -> memref<160x128xi32, #tpu.memory_space<hbm>>
    %dma_wait3A_197 = arith.constant 0 : i32
    %dma_wait3A_198 = tpu.memref_slice %arg4[%add3A_171, %dma_wait3A_197] : memref<51200x128xi32, #tpu.memory_space<hbm>> -> memref<160x128xi32, #tpu.memory_space<hbm>>
    tpu.wait_dma2 semaphore(%arg15 : memref<!tpu.dma_semaphore, #tpu.memory_space<semaphore_mem>>) src(%arg7 : memref<160x128xi32, #tpu.memory_space<vmem>>) dst(%dma_wait3A_198 : memref<160x128xi32, #tpu.memory_space<hbm>>)
    %dma_wait3A_199 = arith.constant 0 : i32
    %dma_wait3A_200 = tpu.memref_slice %arg4[%add3A_182, %dma_wait3A_199] : memref<51200x128xi32, #tpu.memory_space<hbm>> -> memref<160x128xi32, #tpu.memory_space<hbm>>
    %dma_wait3A_201 = arith.constant 0 : i32
    %dma_wait3A_202 = tpu.memref_slice %arg4[%add3A_182, %dma_wait3A_201] : memref<51200x128xi32, #tpu.memory_space<hbm>> -> memref<160x128xi32, #tpu.memory_space<hbm>>
    tpu.wait_dma2 semaphore(%arg16 : memref<!tpu.dma_semaphore, #tpu.memory_space<semaphore_mem>>) src(%arg8 : memref<160x128xi32, #tpu.memory_space<vmem>>) dst(%dma_wait3A_202 : memref<160x128xi32, #tpu.memory_space<hbm>>)
    return
  }
}

#map = affine_map<(d0, d1) -> (0, 0)>
#map1 = affine_map<(d0, d1) -> (0)>
module attributes {stable_mosaic.version = 14 : i64} {
  func.func @k1(%arg0: i32, %arg1: i32, %arg2: memref<2048x128xi32, #tpu.memory_space<hbm>>, %arg3: memref<51200xi32, #tpu.memory_space<hbm>>, %arg4: memref<51200x128xi32, #tpu.memory_space<hbm>>, %arg5: memref<2048x128xi32, #tpu.memory_space<vmem_shared>>, %arg6: memref<1600xi32, #tpu.memory_space<vmem>>, %arg7: memref<160x128xi32, #tpu.memory_space<vmem>>, %arg8: memref<160x128xi32, #tpu.memory_space<vmem>>, %arg9: memref<160x128xi32, #tpu.memory_space<vmem>>, %arg10: memref<160x128xi32, #tpu.memory_space<vmem>>, %arg11: memref<!tpu.dma_semaphore, #tpu.memory_space<semaphore_mem>>, %arg12: memref<!tpu.dma_semaphore, #tpu.memory_space<semaphore_mem>>, %arg13: memref<!tpu.dma_semaphore, #tpu.memory_space<semaphore_mem>>, %arg14: memref<!tpu.dma_semaphore, #tpu.memory_space<semaphore_mem>>, %arg15: memref<!tpu.dma_semaphore, #tpu.memory_space<semaphore_mem>>, %arg16: memref<!tpu.dma_semaphore, #tpu.memory_space<semaphore_mem>>, %arg17: memref<!tpu.dma_semaphore, #tpu.memory_space<semaphore_mem>>, %arg18: memref<!tpu.dma_semaphore, #tpu.memory_space<semaphore_mem>>) attributes {dimension_semantics = [#tpu.dimension_semantics<core_parallel>, #tpu.dimension_semantics<subcore_parallel>], iteration_bounds = array<i64: 2, 16>, scalar_prefetch = 0 : i64, scratch_operands = 14 : i64, tpu.core_type = #tpu.core_type<sc_vector_subcore>, window_params = [{transform_indices = #map}, {transform_indices = #map1}, {transform_indices = #map}]} {
    %mul3A = arith.constant 2 : i32
    %mul3A_0 = arith.muli %arg1, %mul3A : i32
    %add3A = arith.addi %mul3A_0, %arg0 : i32
    %mul3A_1 = arith.constant 1600 : i32
    %mul3A_2 = arith.muli %add3A, %mul3A_1 : i32
    %eq3A = arith.constant 0 : i32
    %eq3A_3 = arith.cmpi eq, %arg1, %eq3A : i32
    %convert_element_type3A = arith.extui %eq3A_3 : i1 to i32
    %cond3A = arith.constant 0 : i32
    %cond3A_4 = arith.cmpi ne, %convert_element_type3A, %cond3A : i32
    scf.if %cond3A_4 {
      "tpu.region"() ({
        %run_scoped3A = tpu.sem_alloc : memref<!tpu.dma_semaphore, #tpu.memory_space<semaphore_mem>>
        tpu.enqueue_dma source(%arg2 : memref<2048x128xi32, #tpu.memory_space<hbm>>) target(%arg5 : memref<2048x128xi32, #tpu.memory_space<vmem_shared>>) target_semaphore(%run_scoped3A : memref<!tpu.dma_semaphore, #tpu.memory_space<semaphore_mem>>)
        tpu.wait_dma2 semaphore(%run_scoped3A : memref<!tpu.dma_semaphore, #tpu.memory_space<semaphore_mem>>) src(%arg2 : memref<2048x128xi32, #tpu.memory_space<hbm>>) dst(%arg5 : memref<2048x128xi32, #tpu.memory_space<vmem_shared>>)
        tpu.yield
      }) : () -> ()
    } else {
    }
    %barrier3A = arith.constant 0 : index
    tpu.barrier barrier_id(%barrier3A)
    "tpu.region"() ({
      %run_scoped3A = tpu.sem_alloc : memref<!tpu.dma_semaphore, #tpu.memory_space<semaphore_mem>>
      %dma_start3A_203 = tpu.memref_slice %arg3[%mul3A_2] : memref<51200xi32, #tpu.memory_space<hbm>> -> memref<1600xi32, #tpu.memory_space<hbm>>
      %dma_start3A_204 = tpu.memref_slice %arg3[%mul3A_2] : memref<51200xi32, #tpu.memory_space<hbm>> -> memref<1600xi32, #tpu.memory_space<hbm>>
      tpu.enqueue_dma source(%dma_start3A_204 : memref<1600xi32, #tpu.memory_space<hbm>>) target(%arg6 : memref<1600xi32, #tpu.memory_space<vmem>>) target_semaphore(%run_scoped3A : memref<!tpu.dma_semaphore, #tpu.memory_space<semaphore_mem>>)
      %dma_wait3A_205 = tpu.memref_slice %arg3[%mul3A_2] : memref<51200xi32, #tpu.memory_space<hbm>> -> memref<1600xi32, #tpu.memory_space<hbm>>
      %dma_wait3A_206 = tpu.memref_slice %arg3[%mul3A_2] : memref<51200xi32, #tpu.memory_space<hbm>> -> memref<1600xi32, #tpu.memory_space<hbm>>
      tpu.wait_dma2 semaphore(%run_scoped3A : memref<!tpu.dma_semaphore, #tpu.memory_space<semaphore_mem>>) src(%dma_wait3A_206 : memref<1600xi32, #tpu.memory_space<hbm>>) dst(%arg6 : memref<1600xi32, #tpu.memory_space<vmem>>)
      tpu.yield
    }) : () -> ()
    %dma_start3A = arith.constant 0 : i32
    %dma_start3A_5 = tpu.memref_slice %arg6[%dma_start3A] : memref<1600xi32, #tpu.memory_space<vmem>> -> memref<160xi32, #tpu.memory_space<vmem>>
    %dma_start3A_6 = arith.constant 0 : i32
    %dma_start3A_7 = arith.constant 0 : i32
    %dma_start3A_8 = tpu.memref_slice %arg5[%dma_start3A_6, %dma_start3A_7] : memref<2048x128xi32, #tpu.memory_space<vmem_shared>> -> memref<2048x128xi32, #tpu.memory_space<vmem_shared>>
    tpu.enqueue_indirect_dma source(%dma_start3A_8 : memref<2048x128xi32, #tpu.memory_space<vmem_shared>>) target(%arg7 : memref<160x128xi32, #tpu.memory_space<vmem>>) offsets(%dma_start3A_5 : memref<160xi32, #tpu.memory_space<vmem>>) semaphore(%arg11 : memref<!tpu.dma_semaphore, #tpu.memory_space<semaphore_mem>>)
    %dma_start3A_9 = arith.constant 160 : i32
    %dma_start3A_10 = tpu.memref_slice %arg6[%dma_start3A_9] : memref<1600xi32, #tpu.memory_space<vmem>> -> memref<160xi32, #tpu.memory_space<vmem>>
    %dma_start3A_11 = arith.constant 0 : i32
    %dma_start3A_12 = arith.constant 0 : i32
    %dma_start3A_13 = tpu.memref_slice %arg5[%dma_start3A_11, %dma_start3A_12] : memref<2048x128xi32, #tpu.memory_space<vmem_shared>> -> memref<2048x128xi32, #tpu.memory_space<vmem_shared>>
    tpu.enqueue_indirect_dma source(%dma_start3A_13 : memref<2048x128xi32, #tpu.memory_space<vmem_shared>>) target(%arg8 : memref<160x128xi32, #tpu.memory_space<vmem>>) offsets(%dma_start3A_10 : memref<160xi32, #tpu.memory_space<vmem>>) semaphore(%arg12 : memref<!tpu.dma_semaphore, #tpu.memory_space<semaphore_mem>>)
    %dma_start3A_14 = arith.constant 320 : i32
    %dma_start3A_15 = tpu.memref_slice %arg6[%dma_start3A_14] : memref<1600xi32, #tpu.memory_space<vmem>> -> memref<160xi32, #tpu.memory_space<vmem>>
    %dma_start3A_16 = arith.constant 0 : i32
    %dma_start3A_17 = arith.constant 0 : i32
    %dma_start3A_18 = tpu.memref_slice %arg5[%dma_start3A_16, %dma_start3A_17] : memref<2048x128xi32, #tpu.memory_space<vmem_shared>> -> memref<2048x128xi32, #tpu.memory_space<vmem_shared>>
    tpu.enqueue_indirect_dma source(%dma_start3A_18 : memref<2048x128xi32, #tpu.memory_space<vmem_shared>>) target(%arg9 : memref<160x128xi32, #tpu.memory_space<vmem>>) offsets(%dma_start3A_15 : memref<160xi32, #tpu.memory_space<vmem>>) semaphore(%arg13 : memref<!tpu.dma_semaphore, #tpu.memory_space<semaphore_mem>>)
    %dma_wait3A = arith.constant 0 : i32
    %dma_wait3A_19 = tpu.memref_slice %arg6[%dma_wait3A] : memref<1600xi32, #tpu.memory_space<vmem>> -> memref<160xi32, #tpu.memory_space<vmem>>
    %dma_wait3A_20 = arith.constant 0 : i32
    %dma_wait3A_21 = arith.constant 0 : i32
    %dma_wait3A_22 = tpu.memref_slice %arg5[%dma_wait3A_20, %dma_wait3A_21] : memref<2048x128xi32, #tpu.memory_space<vmem_shared>> -> memref<2048x128xi32, #tpu.memory_space<vmem_shared>>
    tpu.wait_indirect_dma semaphore(%arg11 : memref<!tpu.dma_semaphore, #tpu.memory_space<semaphore_mem>>) src(%dma_wait3A_22 : memref<2048x128xi32, #tpu.memory_space<vmem_shared>>) dst(%arg7 : memref<160x128xi32, #tpu.memory_space<vmem>>)
    %add3A_23 = arith.constant 0 : i32
    %add3A_24 = arith.addi %mul3A_2, %add3A_23 : i32
    %dma_start3A_25 = arith.constant 0 : i32
    %dma_start3A_26 = tpu.memref_slice %arg4[%add3A_24, %dma_start3A_25] : memref<51200x128xi32, #tpu.memory_space<hbm>> -> memref<160x128xi32, #tpu.memory_space<hbm>>
    %dma_start3A_27 = arith.constant 0 : i32
    %dma_start3A_28 = tpu.memref_slice %arg4[%add3A_24, %dma_start3A_27] : memref<51200x128xi32, #tpu.memory_space<hbm>> -> memref<160x128xi32, #tpu.memory_space<hbm>>
    tpu.enqueue_dma source(%arg7 : memref<160x128xi32, #tpu.memory_space<vmem>>) target(%dma_start3A_28 : memref<160x128xi32, #tpu.memory_space<hbm>>) target_semaphore(%arg15 : memref<!tpu.dma_semaphore, #tpu.memory_space<semaphore_mem>>)
    %dma_start3A_29 = arith.constant 480 : i32
    %dma_start3A_30 = tpu.memref_slice %arg6[%dma_start3A_29] : memref<1600xi32, #tpu.memory_space<vmem>> -> memref<160xi32, #tpu.memory_space<vmem>>
    %dma_start3A_31 = arith.constant 0 : i32
    %dma_start3A_32 = arith.constant 0 : i32
    %dma_start3A_33 = tpu.memref_slice %arg5[%dma_start3A_31, %dma_start3A_32] : memref<2048x128xi32, #tpu.memory_space<vmem_shared>> -> memref<2048x128xi32, #tpu.memory_space<vmem_shared>>
    tpu.enqueue_indirect_dma source(%dma_start3A_33 : memref<2048x128xi32, #tpu.memory_space<vmem_shared>>) target(%arg10 : memref<160x128xi32, #tpu.memory_space<vmem>>) offsets(%dma_start3A_30 : memref<160xi32, #tpu.memory_space<vmem>>) semaphore(%arg14 : memref<!tpu.dma_semaphore, #tpu.memory_space<semaphore_mem>>)
    %dma_wait3A_34 = arith.constant 160 : i32
    %dma_wait3A_35 = tpu.memref_slice %arg6[%dma_wait3A_34] : memref<1600xi32, #tpu.memory_space<vmem>> -> memref<160xi32, #tpu.memory_space<vmem>>
    %dma_wait3A_36 = arith.constant 0 : i32
    %dma_wait3A_37 = arith.constant 0 : i32
    %dma_wait3A_38 = tpu.memref_slice %arg5[%dma_wait3A_36, %dma_wait3A_37] : memref<2048x128xi32, #tpu.memory_space<vmem_shared>> -> memref<2048x128xi32, #tpu.memory_space<vmem_shared>>
    tpu.wait_indirect_dma semaphore(%arg12 : memref<!tpu.dma_semaphore, #tpu.memory_space<semaphore_mem>>) src(%dma_wait3A_38 : memref<2048x128xi32, #tpu.memory_space<vmem_shared>>) dst(%arg8 : memref<160x128xi32, #tpu.memory_space<vmem>>)
    %add3A_39 = arith.constant 160 : i32
    %add3A_40 = arith.addi %mul3A_2, %add3A_39 : i32
    %dma_start3A_41 = arith.constant 0 : i32
    %dma_start3A_42 = tpu.memref_slice %arg4[%add3A_40, %dma_start3A_41] : memref<51200x128xi32, #tpu.memory_space<hbm>> -> memref<160x128xi32, #tpu.memory_space<hbm>>
    %dma_start3A_43 = arith.constant 0 : i32
    %dma_start3A_44 = tpu.memref_slice %arg4[%add3A_40, %dma_start3A_43] : memref<51200x128xi32, #tpu.memory_space<hbm>> -> memref<160x128xi32, #tpu.memory_space<hbm>>
    tpu.enqueue_dma source(%arg8 : memref<160x128xi32, #tpu.memory_space<vmem>>) target(%dma_start3A_44 : memref<160x128xi32, #tpu.memory_space<hbm>>) target_semaphore(%arg16 : memref<!tpu.dma_semaphore, #tpu.memory_space<semaphore_mem>>)
    %dma_wait3A_45 = arith.constant 0 : i32
    %dma_wait3A_46 = tpu.memref_slice %arg4[%add3A_24, %dma_wait3A_45] : memref<51200x128xi32, #tpu.memory_space<hbm>> -> memref<160x128xi32, #tpu.memory_space<hbm>>
    %dma_wait3A_47 = arith.constant 0 : i32
    %dma_wait3A_48 = tpu.memref_slice %arg4[%add3A_24, %dma_wait3A_47] : memref<51200x128xi32, #tpu.memory_space<hbm>> -> memref<160x128xi32, #tpu.memory_space<hbm>>
    tpu.wait_dma2 semaphore(%arg15 : memref<!tpu.dma_semaphore, #tpu.memory_space<semaphore_mem>>) src(%arg7 : memref<160x128xi32, #tpu.memory_space<vmem>>) dst(%dma_wait3A_48 : memref<160x128xi32, #tpu.memory_space<hbm>>)
    %dma_start3A_49 = arith.constant 640 : i32
    %dma_start3A_50 = tpu.memref_slice %arg6[%dma_start3A_49] : memref<1600xi32, #tpu.memory_space<vmem>> -> memref<160xi32, #tpu.memory_space<vmem>>
    %dma_start3A_51 = arith.constant 0 : i32
    %dma_start3A_52 = arith.constant 0 : i32
    %dma_start3A_53 = tpu.memref_slice %arg5[%dma_start3A_51, %dma_start3A_52] : memref<2048x128xi32, #tpu.memory_space<vmem_shared>> -> memref<2048x128xi32, #tpu.memory_space<vmem_shared>>
    tpu.enqueue_indirect_dma source(%dma_start3A_53 : memref<2048x128xi32, #tpu.memory_space<vmem_shared>>) target(%arg7 : memref<160x128xi32, #tpu.memory_space<vmem>>) offsets(%dma_start3A_50 : memref<160xi32, #tpu.memory_space<vmem>>) semaphore(%arg11 : memref<!tpu.dma_semaphore, #tpu.memory_space<semaphore_mem>>)
    %dma_wait3A_54 = arith.constant 320 : i32
    %dma_wait3A_55 = tpu.memref_slice %arg6[%dma_wait3A_54] : memref<1600xi32, #tpu.memory_space<vmem>> -> memref<160xi32, #tpu.memory_space<vmem>>
    %dma_wait3A_56 = arith.constant 0 : i32
    %dma_wait3A_57 = arith.constant 0 : i32
    %dma_wait3A_58 = tpu.memref_slice %arg5[%dma_wait3A_56, %dma_wait3A_57] : memref<2048x128xi32, #tpu.memory_space<vmem_shared>> -> memref<2048x128xi32, #tpu.memory_space<vmem_shared>>
    tpu.wait_indirect_dma semaphore(%arg13 : memref<!tpu.dma_semaphore, #tpu.memory_space<semaphore_mem>>) src(%dma_wait3A_58 : memref<2048x128xi32, #tpu.memory_space<vmem_shared>>) dst(%arg9 : memref<160x128xi32, #tpu.memory_space<vmem>>)
    %add3A_59 = arith.constant 320 : i32
    %add3A_60 = arith.addi %mul3A_2, %add3A_59 : i32
    %dma_start3A_61 = arith.constant 0 : i32
    %dma_start3A_62 = tpu.memref_slice %arg4[%add3A_60, %dma_start3A_61] : memref<51200x128xi32, #tpu.memory_space<hbm>> -> memref<160x128xi32, #tpu.memory_space<hbm>>
    %dma_start3A_63 = arith.constant 0 : i32
    %dma_start3A_64 = tpu.memref_slice %arg4[%add3A_60, %dma_start3A_63] : memref<51200x128xi32, #tpu.memory_space<hbm>> -> memref<160x128xi32, #tpu.memory_space<hbm>>
    tpu.enqueue_dma source(%arg9 : memref<160x128xi32, #tpu.memory_space<vmem>>) target(%dma_start3A_64 : memref<160x128xi32, #tpu.memory_space<hbm>>) target_semaphore(%arg17 : memref<!tpu.dma_semaphore, #tpu.memory_space<semaphore_mem>>)
    %dma_wait3A_65 = arith.constant 0 : i32
    %dma_wait3A_66 = tpu.memref_slice %arg4[%add3A_40, %dma_wait3A_65] : memref<51200x128xi32, #tpu.memory_space<hbm>> -> memref<160x128xi32, #tpu.memory_space<hbm>>
    %dma_wait3A_67 = arith.constant 0 : i32
    %dma_wait3A_68 = tpu.memref_slice %arg4[%add3A_40, %dma_wait3A_67] : memref<51200x128xi32, #tpu.memory_space<hbm>> -> memref<160x128xi32, #tpu.memory_space<hbm>>
    tpu.wait_dma2 semaphore(%arg16 : memref<!tpu.dma_semaphore, #tpu.memory_space<semaphore_mem>>) src(%arg8 : memref<160x128xi32, #tpu.memory_space<vmem>>) dst(%dma_wait3A_68 : memref<160x128xi32, #tpu.memory_space<hbm>>)
    %dma_start3A_69 = arith.constant 800 : i32
    %dma_start3A_70 = tpu.memref_slice %arg6[%dma_start3A_69] : memref<1600xi32, #tpu.memory_space<vmem>> -> memref<160xi32, #tpu.memory_space<vmem>>
    %dma_start3A_71 = arith.constant 0 : i32
    %dma_start3A_72 = arith.constant 0 : i32
    %dma_start3A_73 = tpu.memref_slice %arg5[%dma_start3A_71, %dma_start3A_72] : memref<2048x128xi32, #tpu.memory_space<vmem_shared>> -> memref<2048x128xi32, #tpu.memory_space<vmem_shared>>
    tpu.enqueue_indirect_dma source(%dma_start3A_73 : memref<2048x128xi32, #tpu.memory_space<vmem_shared>>) target(%arg8 : memref<160x128xi32, #tpu.memory_space<vmem>>) offsets(%dma_start3A_70 : memref<160xi32, #tpu.memory_space<vmem>>) semaphore(%arg12 : memref<!tpu.dma_semaphore, #tpu.memory_space<semaphore_mem>>)
    %dma_wait3A_74 = arith.constant 480 : i32
    %dma_wait3A_75 = tpu.memref_slice %arg6[%dma_wait3A_74] : memref<1600xi32, #tpu.memory_space<vmem>> -> memref<160xi32, #tpu.memory_space<vmem>>
    %dma_wait3A_76 = arith.constant 0 : i32
    %dma_wait3A_77 = arith.constant 0 : i32
    %dma_wait3A_78 = tpu.memref_slice %arg5[%dma_wait3A_76, %dma_wait3A_77] : memref<2048x128xi32, #tpu.memory_space<vmem_shared>> -> memref<2048x128xi32, #tpu.memory_space<vmem_shared>>
    tpu.wait_indirect_dma semaphore(%arg14 : memref<!tpu.dma_semaphore, #tpu.memory_space<semaphore_mem>>) src(%dma_wait3A_78 : memref<2048x128xi32, #tpu.memory_space<vmem_shared>>) dst(%arg10 : memref<160x128xi32, #tpu.memory_space<vmem>>)
    %add3A_79 = arith.constant 480 : i32
    %add3A_80 = arith.addi %mul3A_2, %add3A_79 : i32
    %dma_start3A_81 = arith.constant 0 : i32
    %dma_start3A_82 = tpu.memref_slice %arg4[%add3A_80, %dma_start3A_81] : memref<51200x128xi32, #tpu.memory_space<hbm>> -> memref<160x128xi32, #tpu.memory_space<hbm>>
    %dma_start3A_83 = arith.constant 0 : i32
    %dma_start3A_84 = tpu.memref_slice %arg4[%add3A_80, %dma_start3A_83] : memref<51200x128xi32, #tpu.memory_space<hbm>> -> memref<160x128xi32, #tpu.memory_space<hbm>>
    tpu.enqueue_dma source(%arg10 : memref<160x128xi32, #tpu.memory_space<vmem>>) target(%dma_start3A_84 : memref<160x128xi32, #tpu.memory_space<hbm>>) target_semaphore(%arg18 : memref<!tpu.dma_semaphore, #tpu.memory_space<semaphore_mem>>)
    %dma_wait3A_85 = arith.constant 0 : i32
    %dma_wait3A_86 = tpu.memref_slice %arg4[%add3A_60, %dma_wait3A_85] : memref<51200x128xi32, #tpu.memory_space<hbm>> -> memref<160x128xi32, #tpu.memory_space<hbm>>
    %dma_wait3A_87 = arith.constant 0 : i32
    %dma_wait3A_88 = tpu.memref_slice %arg4[%add3A_60, %dma_wait3A_87] : memref<51200x128xi32, #tpu.memory_space<hbm>> -> memref<160x128xi32, #tpu.memory_space<hbm>>
    tpu.wait_dma2 semaphore(%arg17 : memref<!tpu.dma_semaphore, #tpu.memory_space<semaphore_mem>>) src(%arg9 : memref<160x128xi32, #tpu.memory_space<vmem>>) dst(%dma_wait3A_88 : memref<160x128xi32, #tpu.memory_space<hbm>>)
    %dma_start3A_89 = arith.constant 960 : i32
    %dma_start3A_90 = tpu.memref_slice %arg6[%dma_start3A_89] : memref<1600xi32, #tpu.memory_space<vmem>> -> memref<160xi32, #tpu.memory_space<vmem>>
    %dma_start3A_91 = arith.constant 0 : i32
    %dma_start3A_92 = arith.constant 0 : i32
    %dma_start3A_93 = tpu.memref_slice %arg5[%dma_start3A_91, %dma_start3A_92] : memref<2048x128xi32, #tpu.memory_space<vmem_shared>> -> memref<2048x128xi32, #tpu.memory_space<vmem_shared>>
    tpu.enqueue_indirect_dma source(%dma_start3A_93 : memref<2048x128xi32, #tpu.memory_space<vmem_shared>>) target(%arg9 : memref<160x128xi32, #tpu.memory_space<vmem>>) offsets(%dma_start3A_90 : memref<160xi32, #tpu.memory_space<vmem>>) semaphore(%arg13 : memref<!tpu.dma_semaphore, #tpu.memory_space<semaphore_mem>>)
    %dma_wait3A_94 = arith.constant 640 : i32
    %dma_wait3A_95 = tpu.memref_slice %arg6[%dma_wait3A_94] : memref<1600xi32, #tpu.memory_space<vmem>> -> memref<160xi32, #tpu.memory_space<vmem>>
    %dma_wait3A_96 = arith.constant 0 : i32
    %dma_wait3A_97 = arith.constant 0 : i32
    %dma_wait3A_98 = tpu.memref_slice %arg5[%dma_wait3A_96, %dma_wait3A_97] : memref<2048x128xi32, #tpu.memory_space<vmem_shared>> -> memref<2048x128xi32, #tpu.memory_space<vmem_shared>>
    tpu.wait_indirect_dma semaphore(%arg11 : memref<!tpu.dma_semaphore, #tpu.memory_space<semaphore_mem>>) src(%dma_wait3A_98 : memref<2048x128xi32, #tpu.memory_space<vmem_shared>>) dst(%arg7 : memref<160x128xi32, #tpu.memory_space<vmem>>)
    %add3A_99 = arith.constant 640 : i32
    %add3A_100 = arith.addi %mul3A_2, %add3A_99 : i32
    %dma_start3A_101 = arith.constant 0 : i32
    %dma_start3A_102 = tpu.memref_slice %arg4[%add3A_100, %dma_start3A_101] : memref<51200x128xi32, #tpu.memory_space<hbm>> -> memref<160x128xi32, #tpu.memory_space<hbm>>
    %dma_start3A_103 = arith.constant 0 : i32
    %dma_start3A_104 = tpu.memref_slice %arg4[%add3A_100, %dma_start3A_103] : memref<51200x128xi32, #tpu.memory_space<hbm>> -> memref<160x128xi32, #tpu.memory_space<hbm>>
    tpu.enqueue_dma source(%arg7 : memref<160x128xi32, #tpu.memory_space<vmem>>) target(%dma_start3A_104 : memref<160x128xi32, #tpu.memory_space<hbm>>) target_semaphore(%arg15 : memref<!tpu.dma_semaphore, #tpu.memory_space<semaphore_mem>>)
    %dma_wait3A_105 = arith.constant 0 : i32
    %dma_wait3A_106 = tpu.memref_slice %arg4[%add3A_80, %dma_wait3A_105] : memref<51200x128xi32, #tpu.memory_space<hbm>> -> memref<160x128xi32, #tpu.memory_space<hbm>>
    %dma_wait3A_107 = arith.constant 0 : i32
    %dma_wait3A_108 = tpu.memref_slice %arg4[%add3A_80, %dma_wait3A_107] : memref<51200x128xi32, #tpu.memory_space<hbm>> -> memref<160x128xi32, #tpu.memory_space<hbm>>
    tpu.wait_dma2 semaphore(%arg18 : memref<!tpu.dma_semaphore, #tpu.memory_space<semaphore_mem>>) src(%arg10 : memref<160x128xi32, #tpu.memory_space<vmem>>) dst(%dma_wait3A_108 : memref<160x128xi32, #tpu.memory_space<hbm>>)
    %dma_start3A_109 = arith.constant 1120 : i32
    %dma_start3A_110 = tpu.memref_slice %arg6[%dma_start3A_109] : memref<1600xi32, #tpu.memory_space<vmem>> -> memref<160xi32, #tpu.memory_space<vmem>>
    %dma_start3A_111 = arith.constant 0 : i32
    %dma_start3A_112 = arith.constant 0 : i32
    %dma_start3A_113 = tpu.memref_slice %arg5[%dma_start3A_111, %dma_start3A_112] : memref<2048x128xi32, #tpu.memory_space<vmem_shared>> -> memref<2048x128xi32, #tpu.memory_space<vmem_shared>>
    tpu.enqueue_indirect_dma source(%dma_start3A_113 : memref<2048x128xi32, #tpu.memory_space<vmem_shared>>) target(%arg10 : memref<160x128xi32, #tpu.memory_space<vmem>>) offsets(%dma_start3A_110 : memref<160xi32, #tpu.memory_space<vmem>>) semaphore(%arg14 : memref<!tpu.dma_semaphore, #tpu.memory_space<semaphore_mem>>)
    %dma_wait3A_114 = arith.constant 800 : i32
    %dma_wait3A_115 = tpu.memref_slice %arg6[%dma_wait3A_114] : memref<1600xi32, #tpu.memory_space<vmem>> -> memref<160xi32, #tpu.memory_space<vmem>>
    %dma_wait3A_116 = arith.constant 0 : i32
    %dma_wait3A_117 = arith.constant 0 : i32
    %dma_wait3A_118 = tpu.memref_slice %arg5[%dma_wait3A_116, %dma_wait3A_117] : memref<2048x128xi32, #tpu.memory_space<vmem_shared>> -> memref<2048x128xi32, #tpu.memory_space<vmem_shared>>
    tpu.wait_indirect_dma semaphore(%arg12 : memref<!tpu.dma_semaphore, #tpu.memory_space<semaphore_mem>>) src(%dma_wait3A_118 : memref<2048x128xi32, #tpu.memory_space<vmem_shared>>) dst(%arg8 : memref<160x128xi32, #tpu.memory_space<vmem>>)
    %add3A_119 = arith.constant 800 : i32
    %add3A_120 = arith.addi %mul3A_2, %add3A_119 : i32
    %dma_start3A_121 = arith.constant 0 : i32
    %dma_start3A_122 = tpu.memref_slice %arg4[%add3A_120, %dma_start3A_121] : memref<51200x128xi32, #tpu.memory_space<hbm>> -> memref<160x128xi32, #tpu.memory_space<hbm>>
    %dma_start3A_123 = arith.constant 0 : i32
    %dma_start3A_124 = tpu.memref_slice %arg4[%add3A_120, %dma_start3A_123] : memref<51200x128xi32, #tpu.memory_space<hbm>> -> memref<160x128xi32, #tpu.memory_space<hbm>>
    tpu.enqueue_dma source(%arg8 : memref<160x128xi32, #tpu.memory_space<vmem>>) target(%dma_start3A_124 : memref<160x128xi32, #tpu.memory_space<hbm>>) target_semaphore(%arg16 : memref<!tpu.dma_semaphore, #tpu.memory_space<semaphore_mem>>)
    %dma_wait3A_125 = arith.constant 0 : i32
    %dma_wait3A_126 = tpu.memref_slice %arg4[%add3A_100, %dma_wait3A_125] : memref<51200x128xi32, #tpu.memory_space<hbm>> -> memref<160x128xi32, #tpu.memory_space<hbm>>
    %dma_wait3A_127 = arith.constant 0 : i32
    %dma_wait3A_128 = tpu.memref_slice %arg4[%add3A_100, %dma_wait3A_127] : memref<51200x128xi32, #tpu.memory_space<hbm>> -> memref<160x128xi32, #tpu.memory_space<hbm>>
    tpu.wait_dma2 semaphore(%arg15 : memref<!tpu.dma_semaphore, #tpu.memory_space<semaphore_mem>>) src(%arg7 : memref<160x128xi32, #tpu.memory_space<vmem>>) dst(%dma_wait3A_128 : memref<160x128xi32, #tpu.memory_space<hbm>>)
    %dma_start3A_129 = arith.constant 1280 : i32
    %dma_start3A_130 = tpu.memref_slice %arg6[%dma_start3A_129] : memref<1600xi32, #tpu.memory_space<vmem>> -> memref<160xi32, #tpu.memory_space<vmem>>
    %dma_start3A_131 = arith.constant 0 : i32
    %dma_start3A_132 = arith.constant 0 : i32
    %dma_start3A_133 = tpu.memref_slice %arg5[%dma_start3A_131, %dma_start3A_132] : memref<2048x128xi32, #tpu.memory_space<vmem_shared>> -> memref<2048x128xi32, #tpu.memory_space<vmem_shared>>
    tpu.enqueue_indirect_dma source(%dma_start3A_133 : memref<2048x128xi32, #tpu.memory_space<vmem_shared>>) target(%arg7 : memref<160x128xi32, #tpu.memory_space<vmem>>) offsets(%dma_start3A_130 : memref<160xi32, #tpu.memory_space<vmem>>) semaphore(%arg11 : memref<!tpu.dma_semaphore, #tpu.memory_space<semaphore_mem>>)
    %dma_wait3A_134 = arith.constant 960 : i32
    %dma_wait3A_135 = tpu.memref_slice %arg6[%dma_wait3A_134] : memref<1600xi32, #tpu.memory_space<vmem>> -> memref<160xi32, #tpu.memory_space<vmem>>
    %dma_wait3A_136 = arith.constant 0 : i32
    %dma_wait3A_137 = arith.constant 0 : i32
    %dma_wait3A_138 = tpu.memref_slice %arg5[%dma_wait3A_136, %dma_wait3A_137] : memref<2048x128xi32, #tpu.memory_space<vmem_shared>> -> memref<2048x128xi32, #tpu.memory_space<vmem_shared>>
    tpu.wait_indirect_dma semaphore(%arg13 : memref<!tpu.dma_semaphore, #tpu.memory_space<semaphore_mem>>) src(%dma_wait3A_138 : memref<2048x128xi32, #tpu.memory_space<vmem_shared>>) dst(%arg9 : memref<160x128xi32, #tpu.memory_space<vmem>>)
    %add3A_139 = arith.constant 960 : i32
    %add3A_140 = arith.addi %mul3A_2, %add3A_139 : i32
    %dma_start3A_141 = arith.constant 0 : i32
    %dma_start3A_142 = tpu.memref_slice %arg4[%add3A_140, %dma_start3A_141] : memref<51200x128xi32, #tpu.memory_space<hbm>> -> memref<160x128xi32, #tpu.memory_space<hbm>>
    %dma_start3A_143 = arith.constant 0 : i32
    %dma_start3A_144 = tpu.memref_slice %arg4[%add3A_140, %dma_start3A_143] : memref<51200x128xi32, #tpu.memory_space<hbm>> -> memref<160x128xi32, #tpu.memory_space<hbm>>
    tpu.enqueue_dma source(%arg9 : memref<160x128xi32, #tpu.memory_space<vmem>>) target(%dma_start3A_144 : memref<160x128xi32, #tpu.memory_space<hbm>>) target_semaphore(%arg17 : memref<!tpu.dma_semaphore, #tpu.memory_space<semaphore_mem>>)
    %dma_wait3A_145 = arith.constant 0 : i32
    %dma_wait3A_146 = tpu.memref_slice %arg4[%add3A_120, %dma_wait3A_145] : memref<51200x128xi32, #tpu.memory_space<hbm>> -> memref<160x128xi32, #tpu.memory_space<hbm>>
    %dma_wait3A_147 = arith.constant 0 : i32
    %dma_wait3A_148 = tpu.memref_slice %arg4[%add3A_120, %dma_wait3A_147] : memref<51200x128xi32, #tpu.memory_space<hbm>> -> memref<160x128xi32, #tpu.memory_space<hbm>>
    tpu.wait_dma2 semaphore(%arg16 : memref<!tpu.dma_semaphore, #tpu.memory_space<semaphore_mem>>) src(%arg8 : memref<160x128xi32, #tpu.memory_space<vmem>>) dst(%dma_wait3A_148 : memref<160x128xi32, #tpu.memory_space<hbm>>)
    %dma_start3A_149 = arith.constant 1440 : i32
    %dma_start3A_150 = tpu.memref_slice %arg6[%dma_start3A_149] : memref<1600xi32, #tpu.memory_space<vmem>> -> memref<160xi32, #tpu.memory_space<vmem>>
    %dma_start3A_151 = arith.constant 0 : i32
    %dma_start3A_152 = arith.constant 0 : i32
    %dma_start3A_153 = tpu.memref_slice %arg5[%dma_start3A_151, %dma_start3A_152] : memref<2048x128xi32, #tpu.memory_space<vmem_shared>> -> memref<2048x128xi32, #tpu.memory_space<vmem_shared>>
    tpu.enqueue_indirect_dma source(%dma_start3A_153 : memref<2048x128xi32, #tpu.memory_space<vmem_shared>>) target(%arg8 : memref<160x128xi32, #tpu.memory_space<vmem>>) offsets(%dma_start3A_150 : memref<160xi32, #tpu.memory_space<vmem>>) semaphore(%arg12 : memref<!tpu.dma_semaphore, #tpu.memory_space<semaphore_mem>>)
    %dma_wait3A_154 = arith.constant 1120 : i32
    %dma_wait3A_155 = tpu.memref_slice %arg6[%dma_wait3A_154] : memref<1600xi32, #tpu.memory_space<vmem>> -> memref<160xi32, #tpu.memory_space<vmem>>
    %dma_wait3A_156 = arith.constant 0 : i32
    %dma_wait3A_157 = arith.constant 0 : i32
    %dma_wait3A_158 = tpu.memref_slice %arg5[%dma_wait3A_156, %dma_wait3A_157] : memref<2048x128xi32, #tpu.memory_space<vmem_shared>> -> memref<2048x128xi32, #tpu.memory_space<vmem_shared>>
    tpu.wait_indirect_dma semaphore(%arg14 : memref<!tpu.dma_semaphore, #tpu.memory_space<semaphore_mem>>) src(%dma_wait3A_158 : memref<2048x128xi32, #tpu.memory_space<vmem_shared>>) dst(%arg10 : memref<160x128xi32, #tpu.memory_space<vmem>>)
    %add3A_159 = arith.constant 1120 : i32
    %add3A_160 = arith.addi %mul3A_2, %add3A_159 : i32
    %dma_start3A_161 = arith.constant 0 : i32
    %dma_start3A_162 = tpu.memref_slice %arg4[%add3A_160, %dma_start3A_161] : memref<51200x128xi32, #tpu.memory_space<hbm>> -> memref<160x128xi32, #tpu.memory_space<hbm>>
    %dma_start3A_163 = arith.constant 0 : i32
    %dma_start3A_164 = tpu.memref_slice %arg4[%add3A_160, %dma_start3A_163] : memref<51200x128xi32, #tpu.memory_space<hbm>> -> memref<160x128xi32, #tpu.memory_space<hbm>>
    tpu.enqueue_dma source(%arg10 : memref<160x128xi32, #tpu.memory_space<vmem>>) target(%dma_start3A_164 : memref<160x128xi32, #tpu.memory_space<hbm>>) target_semaphore(%arg18 : memref<!tpu.dma_semaphore, #tpu.memory_space<semaphore_mem>>)
    %dma_wait3A_165 = arith.constant 1280 : i32
    %dma_wait3A_166 = tpu.memref_slice %arg6[%dma_wait3A_165] : memref<1600xi32, #tpu.memory_space<vmem>> -> memref<160xi32, #tpu.memory_space<vmem>>
    %dma_wait3A_167 = arith.constant 0 : i32
    %dma_wait3A_168 = arith.constant 0 : i32
    %dma_wait3A_169 = tpu.memref_slice %arg5[%dma_wait3A_167, %dma_wait3A_168] : memref<2048x128xi32, #tpu.memory_space<vmem_shared>> -> memref<2048x128xi32, #tpu.memory_space<vmem_shared>>
    tpu.wait_indirect_dma semaphore(%arg11 : memref<!tpu.dma_semaphore, #tpu.memory_space<semaphore_mem>>) src(%dma_wait3A_169 : memref<2048x128xi32, #tpu.memory_space<vmem_shared>>) dst(%arg7 : memref<160x128xi32, #tpu.memory_space<vmem>>)
    %add3A_170 = arith.constant 1280 : i32
    %add3A_171 = arith.addi %mul3A_2, %add3A_170 : i32
    %dma_start3A_172 = arith.constant 0 : i32
    %dma_start3A_173 = tpu.memref_slice %arg4[%add3A_171, %dma_start3A_172] : memref<51200x128xi32, #tpu.memory_space<hbm>> -> memref<160x128xi32, #tpu.memory_space<hbm>>
    %dma_start3A_174 = arith.constant 0 : i32
    %dma_start3A_175 = tpu.memref_slice %arg4[%add3A_171, %dma_start3A_174] : memref<51200x128xi32, #tpu.memory_space<hbm>> -> memref<160x128xi32, #tpu.memory_space<hbm>>
    tpu.enqueue_dma source(%arg7 : memref<160x128xi32, #tpu.memory_space<vmem>>) target(%dma_start3A_175 : memref<160x128xi32, #tpu.memory_space<hbm>>) target_semaphore(%arg15 : memref<!tpu.dma_semaphore, #tpu.memory_space<semaphore_mem>>)
    %dma_wait3A_176 = arith.constant 1440 : i32
    %dma_wait3A_177 = tpu.memref_slice %arg6[%dma_wait3A_176] : memref<1600xi32, #tpu.memory_space<vmem>> -> memref<160xi32, #tpu.memory_space<vmem>>
    %dma_wait3A_178 = arith.constant 0 : i32
    %dma_wait3A_179 = arith.constant 0 : i32
    %dma_wait3A_180 = tpu.memref_slice %arg5[%dma_wait3A_178, %dma_wait3A_179] : memref<2048x128xi32, #tpu.memory_space<vmem_shared>> -> memref<2048x128xi32, #tpu.memory_space<vmem_shared>>
    tpu.wait_indirect_dma semaphore(%arg12 : memref<!tpu.dma_semaphore, #tpu.memory_space<semaphore_mem>>) src(%dma_wait3A_180 : memref<2048x128xi32, #tpu.memory_space<vmem_shared>>) dst(%arg8 : memref<160x128xi32, #tpu.memory_space<vmem>>)
    %add3A_181 = arith.constant 1440 : i32
    %add3A_182 = arith.addi %mul3A_2, %add3A_181 : i32
    %dma_start3A_183 = arith.constant 0 : i32
    %dma_start3A_184 = tpu.memref_slice %arg4[%add3A_182, %dma_start3A_183] : memref<51200x128xi32, #tpu.memory_space<hbm>> -> memref<160x128xi32, #tpu.memory_space<hbm>>
    %dma_start3A_185 = arith.constant 0 : i32
    %dma_start3A_186 = tpu.memref_slice %arg4[%add3A_182, %dma_start3A_185] : memref<51200x128xi32, #tpu.memory_space<hbm>> -> memref<160x128xi32, #tpu.memory_space<hbm>>
    tpu.enqueue_dma source(%arg8 : memref<160x128xi32, #tpu.memory_space<vmem>>) target(%dma_start3A_186 : memref<160x128xi32, #tpu.memory_space<hbm>>) target_semaphore(%arg16 : memref<!tpu.dma_semaphore, #tpu.memory_space<semaphore_mem>>)
    %dma_wait3A_187 = arith.constant 0 : i32
    %dma_wait3A_188 = tpu.memref_slice %arg4[%add3A_140, %dma_wait3A_187] : memref<51200x128xi32, #tpu.memory_space<hbm>> -> memref<160x128xi32, #tpu.memory_space<hbm>>
    %dma_wait3A_189 = arith.constant 0 : i32
    %dma_wait3A_190 = tpu.memref_slice %arg4[%add3A_140, %dma_wait3A_189] : memref<51200x128xi32, #tpu.memory_space<hbm>> -> memref<160x128xi32, #tpu.memory_space<hbm>>
    tpu.wait_dma2 semaphore(%arg17 : memref<!tpu.dma_semaphore, #tpu.memory_space<semaphore_mem>>) src(%arg9 : memref<160x128xi32, #tpu.memory_space<vmem>>) dst(%dma_wait3A_190 : memref<160x128xi32, #tpu.memory_space<hbm>>)
    %dma_wait3A_191 = arith.constant 0 : i32
    %dma_wait3A_192 = tpu.memref_slice %arg4[%add3A_160, %dma_wait3A_191] : memref<51200x128xi32, #tpu.memory_space<hbm>> -> memref<160x128xi32, #tpu.memory_space<hbm>>
    %dma_wait3A_193 = arith.constant 0 : i32
    %dma_wait3A_194 = tpu.memref_slice %arg4[%add3A_160, %dma_wait3A_193] : memref<51200x128xi32, #tpu.memory_space<hbm>> -> memref<160x128xi32, #tpu.memory_space<hbm>>
    tpu.wait_dma2 semaphore(%arg18 : memref<!tpu.dma_semaphore, #tpu.memory_space<semaphore_mem>>) src(%arg10 : memref<160x128xi32, #tpu.memory_space<vmem>>) dst(%dma_wait3A_194 : memref<160x128xi32, #tpu.memory_space<hbm>>)
    %dma_wait3A_195 = arith.constant 0 : i32
    %dma_wait3A_196 = tpu.memref_slice %arg4[%add3A_171, %dma_wait3A_195] : memref<51200x128xi32, #tpu.memory_space<hbm>> -> memref<160x128xi32, #tpu.memory_space<hbm>>
    %dma_wait3A_197 = arith.constant 0 : i32
    %dma_wait3A_198 = tpu.memref_slice %arg4[%add3A_171, %dma_wait3A_197] : memref<51200x128xi32, #tpu.memory_space<hbm>> -> memref<160x128xi32, #tpu.memory_space<hbm>>
    tpu.wait_dma2 semaphore(%arg15 : memref<!tpu.dma_semaphore, #tpu.memory_space<semaphore_mem>>) src(%arg7 : memref<160x128xi32, #tpu.memory_space<vmem>>) dst(%dma_wait3A_198 : memref<160x128xi32, #tpu.memory_space<hbm>>)
    %dma_wait3A_199 = arith.constant 0 : i32
    %dma_wait3A_200 = tpu.memref_slice %arg4[%add3A_182, %dma_wait3A_199] : memref<51200x128xi32, #tpu.memory_space<hbm>> -> memref<160x128xi32, #tpu.memory_space<hbm>>
    %dma_wait3A_201 = arith.constant 0 : i32
    %dma_wait3A_202 = tpu.memref_slice %arg4[%add3A_182, %dma_wait3A_201] : memref<51200x128xi32, #tpu.memory_space<hbm>> -> memref<160x128xi32, #tpu.memory_space<hbm>>
    tpu.wait_dma2 semaphore(%arg16 : memref<!tpu.dma_semaphore, #tpu.memory_space<semaphore_mem>>) src(%arg8 : memref<160x128xi32, #tpu.memory_space<vmem>>) dst(%dma_wait3A_202 : memref<160x128xi32, #tpu.memory_space<hbm>>)
    return
  }
}

module attributes {stable_mosaic.version = 14 : i64} {
  func.func @_k0_body(%arg0: memref<1024x128xf32, #tpu.memory_space<vmem>>, %arg1: memref<128x128xf32, #tpu.memory_space<vmem>>, %arg2: memref<128xf32, #tpu.memory_space<vmem>>, %arg3: memref<16x128xf32, #tpu.memory_space<vmem>>, %arg4: memref<1024x1xi32, #tpu.memory_space<vmem>>, %arg5: memref<2x128xf32, #tpu.memory_space<vmem>>, %arg6: memref<1x128xf32, #tpu.memory_space<vmem>>, %arg7: memref<128x128xf32, #tpu.memory_space<vmem>>, %arg8: memref<2x1024x128xi32, #tpu.memory_space<vmem>>) attributes {dimension_semantics = [], scalar_prefetch = 0 : i64, scratch_operands = 0 : i64, tpu.core_type = #tpu.core_type<tc>} {
    %get3A = arith.constant 0 : index
    %get3A_0 = arith.constant 0 : index
    %get3A_1 = vector.load %arg0[%get3A, %get3A_0] : memref<1024x128xf32, #tpu.memory_space<vmem>>, vector<1024x128xf32>
    %get3A_2 = arith.constant 0 : index
    %get3A_3 = arith.constant 0 : index
    %get3A_4 = vector.load %arg1[%get3A_2, %get3A_3] : memref<128x128xf32, #tpu.memory_space<vmem>>, vector<128x128xf32>
    %dot_general3A = arith.constant dense<0.000000e+00> : vector<1024x128xf32>
    %dot_general3A_5 = tpu.matmul %get3A_1, %get3A_4, %dot_general3A {dimension_numbers = #tpu.dot_dimension_numbers<[1], [0], [0], [1], [0, 0, 1, 1], [], []>, transpose_lhs_hint = false} : vector<1024x128xf32>, vector<128x128xf32>, vector<1024x128xf32> -> vector<1024x128xf32>
    %get3A_6 = arith.constant 0 : index
    %get3A_7 = vector.load %arg2[%get3A_6] : memref<128xf32, #tpu.memory_space<vmem>>, vector<128xf32>
    %broadcast_in_dim3A = vector.shape_cast %get3A_7 : vector<128xf32> to vector<1x128xf32>
    %add3A = vector.broadcast %broadcast_in_dim3A : vector<1x128xf32> to vector<1024x128xf32>
    %add3A_8 = arith.addf %dot_general3A_5, %add3A : vector<1024x128xf32>
    %get3A_9 = arith.constant 0 : index
    %get3A_10 = arith.constant 0 : index
    %get3A_11 = vector.load %arg4[%get3A_9, %get3A_10] : memref<1024x1xi32, #tpu.memory_space<vmem>>, vector<1024x1xi32>
    %iota3A = tpu.iota {dimensions = array<i32: 1>} : vector<1024x16xi32>
    %eq3A = vector.broadcast %get3A_11 : vector<1024x1xi32> to vector<1024x16xi32>
    %eq3A_12 = arith.cmpi eq, %eq3A, %iota3A : vector<1024x16xi32>
    %convert_element_type3A = arith.extui %eq3A_12 : vector<1024x16xi1> to vector<1024x16xi32>
    %convert_element_type3A_13 = arith.sitofp %convert_element_type3A : vector<1024x16xi32> to vector<1024x16xf32>
    %get3A_14 = arith.constant 0 : index
    %get3A_15 = arith.constant 0 : index
    %get3A_16 = vector.load %arg3[%get3A_14, %get3A_15] : memref<16x128xf32, #tpu.memory_space<vmem>>, vector<16x128xf32>
    %dot_general3A_17 = arith.constant dense<0.000000e+00> : vector<1024x128xf32>
    %dot_general3A_18 = tpu.matmul %convert_element_type3A_13, %get3A_16, %dot_general3A_17 {dimension_numbers = #tpu.dot_dimension_numbers<[1], [0], [0], [1], [0, 0, 1, 1], [], []>, transpose_lhs_hint = false} : vector<1024x16xf32>, vector<16x128xf32>, vector<1024x128xf32> -> vector<1024x128xf32>
    %get3A_19 = arith.constant 0 : index
    %get3A_20 = arith.constant 0 : index
    %get3A_21 = vector.load %arg5[%get3A_19, %get3A_20] : memref<2x128xf32, #tpu.memory_space<vmem>>, vector<1x128xf32>
    %add3A_22 = vector.broadcast %get3A_21 : vector<1x128xf32> to vector<1024x128xf32>
    %add3A_23 = arith.addf %dot_general3A_18, %add3A_22 : vector<1024x128xf32>
    %ge3A = arith.constant 0.000000e+00 : f32
    %ge3A_24 = vector.broadcast %ge3A : f32 to vector<1024x128xf32>
    %ge3A_25 = arith.cmpf oge, %add3A_23, %ge3A_24 : vector<1024x128xf32>
    %mul3A = arith.constant 0.00999999977 : f32
    %mul3A_26 = vector.broadcast %mul3A : f32 to vector<1024x128xf32>
    %mul3A_27 = arith.mulf %mul3A_26, %add3A_23 : vector<1024x128xf32>
    %select_n3A = arith.select %ge3A_25, %add3A_23, %mul3A_27 : vector<1024x128xi1>, vector<1024x128xf32>
    %get3A_28 = arith.constant 0 : index
    %get3A_29 = arith.constant 0 : index
    %get3A_30 = vector.load %arg6[%get3A_28, %get3A_29] : memref<1x128xf32, #tpu.memory_space<vmem>>, vector<1x128xf32>
    %mul3A_31 = vector.broadcast %get3A_30 : vector<1x128xf32> to vector<1024x128xf32>
    %mul3A_32 = arith.mulf %select_n3A, %mul3A_31 : vector<1024x128xf32>
    %get3A_33 = arith.constant 0 : index
    %get3A_34 = arith.constant 0 : index
    %get3A_35 = vector.load %arg7[%get3A_33, %get3A_34] : memref<128x128xf32, #tpu.memory_space<vmem>>, vector<128x128xf32>
    %dot_general3A_36 = arith.constant dense<0.000000e+00> : vector<1024x128xf32>
    %dot_general3A_37 = tpu.matmul %mul3A_32, %get3A_35, %dot_general3A_36 {dimension_numbers = #tpu.dot_dimension_numbers<[1], [0], [0], [1], [0, 0, 1, 1], [], []>, transpose_lhs_hint = false} : vector<1024x128xf32>, vector<128x128xf32>, vector<1024x128xf32> -> vector<1024x128xf32>
    %convert_element_type3A_38 = arith.truncf %add3A_8 : vector<1024x128xf32> to vector<1024x128xbf16>
    %convert_element_type3A_39 = arith.extf %convert_element_type3A_38 : vector<1024x128xbf16> to vector<1024x128xf32>
    %bitcast_convert_type3A = tpu.bitcast %convert_element_type3A_39 : vector<1024x128xf32> -> vector<1024x128xi32>
    %convert_element_type3A_40 = arith.truncf %dot_general3A_37 : vector<1024x128xf32> to vector<1024x128xbf16>
    %convert_element_type3A_41 = arith.extf %convert_element_type3A_40 : vector<1024x128xbf16> to vector<1024x128xf32>
    %bitcast_convert_type3A_42 = tpu.bitcast %convert_element_type3A_41 : vector<1024x128xf32> -> vector<1024x128xi32>
    %shift_right_arithmetic3A = arith.constant 16 : i32
    %shift_right_arithmetic3A_43 = vector.broadcast %shift_right_arithmetic3A : i32 to vector<1024x128xi32>
    %shift_right_arithmetic3A_44 = arith.shrsi %bitcast_convert_type3A, %shift_right_arithmetic3A_43 : vector<1024x128xi32>
    %and3A = arith.constant 65535 : i32
    %and3A_45 = vector.broadcast %and3A : i32 to vector<1024x128xi32>
    %and3A_46 = arith.andi %shift_right_arithmetic3A_44, %and3A_45 : vector<1024x128xi32>
    %and3A_47 = arith.constant -65536 : i32
    %and3A_48 = vector.broadcast %and3A_47 : i32 to vector<1024x128xi32>
    %and3A_49 = arith.andi %bitcast_convert_type3A_42, %and3A_48 : vector<1024x128xi32>
    %or3A = arith.ori %and3A_46, %and3A_49 : vector<1024x128xi32>
    %swap3A = arith.constant 0 : index
    %swap3A_50 = arith.constant 0 : index
    %swap3A_51 = arith.constant 0 : index
    %swap3A_52 = vector.load %arg8[%swap3A, %swap3A_50, %swap3A_51] : memref<2x1024x128xi32, #tpu.memory_space<vmem>>, vector<1x1024x128xi32>
    %swap3A_53 = vector.shape_cast %swap3A_52 : vector<1x1024x128xi32> to vector<1024x128xi32>
    %swap3A_54 = vector.shape_cast %or3A : vector<1024x128xi32> to vector<1x1024x128xi32>
    tpu.vector_store %arg8[%swap3A, %swap3A_50, %swap3A_51], %swap3A_54 {strides = array<i32>} : memref<2x1024x128xi32, #tpu.memory_space<vmem>>, vector<1x1024x128xi32>,
    %get3A_55 = arith.constant 1 : index
    %get3A_56 = arith.constant 0 : index
    %get3A_57 = vector.load %arg5[%get3A_55, %get3A_56] : memref<2x128xf32, #tpu.memory_space<vmem>>, vector<1x128xf32>
    %add3A_58 = vector.broadcast %get3A_57 : vector<1x128xf32> to vector<1024x128xf32>
    %add3A_59 = arith.addf %dot_general3A_18, %add3A_58 : vector<1024x128xf32>
    %ge3A_60 = arith.constant 0.000000e+00 : f32
    %ge3A_61 = vector.broadcast %ge3A_60 : f32 to vector<1024x128xf32>
    %ge3A_62 = arith.cmpf oge, %add3A_59, %ge3A_61 : vector<1024x128xf32>
    %mul3A_63 = arith.constant 0.00999999977 : f32
    %mul3A_64 = vector.broadcast %mul3A_63 : f32 to vector<1024x128xf32>
    %mul3A_65 = arith.mulf %mul3A_64, %add3A_59 : vector<1024x128xf32>
    %select_n3A_66 = arith.select %ge3A_62, %add3A_59, %mul3A_65 : vector<1024x128xi1>, vector<1024x128xf32>
    %get3A_67 = arith.constant 0 : index
    %get3A_68 = arith.constant 0 : index
    %get3A_69 = vector.load %arg6[%get3A_67, %get3A_68] : memref<1x128xf32, #tpu.memory_space<vmem>>, vector<1x128xf32>
    %mul3A_70 = vector.broadcast %get3A_69 : vector<1x128xf32> to vector<1024x128xf32>
    %mul3A_71 = arith.mulf %select_n3A_66, %mul3A_70 : vector<1024x128xf32>
    %get3A_72 = arith.constant 0 : index
    %get3A_73 = arith.constant 0 : index
    %get3A_74 = vector.load %arg7[%get3A_72, %get3A_73] : memref<128x128xf32, #tpu.memory_space<vmem>>, vector<128x128xf32>
    %dot_general3A_75 = arith.constant dense<0.000000e+00> : vector<1024x128xf32>
    %dot_general3A_76 = tpu.matmul %mul3A_71, %get3A_74, %dot_general3A_75 {dimension_numbers = #tpu.dot_dimension_numbers<[1], [0], [0], [1], [0, 0, 1, 1], [], []>, transpose_lhs_hint = false} : vector<1024x128xf32>, vector<128x128xf32>, vector<1024x128xf32> -> vector<1024x128xf32>
    %convert_element_type3A_77 = arith.truncf %add3A_8 : vector<1024x128xf32> to vector<1024x128xbf16>
    %convert_element_type3A_78 = arith.extf %convert_element_type3A_77 : vector<1024x128xbf16> to vector<1024x128xf32>
    %bitcast_convert_type3A_79 = tpu.bitcast %convert_element_type3A_78 : vector<1024x128xf32> -> vector<1024x128xi32>
    %convert_element_type3A_80 = arith.truncf %dot_general3A_76 : vector<1024x128xf32> to vector<1024x128xbf16>
    %convert_element_type3A_81 = arith.extf %convert_element_type3A_80 : vector<1024x128xbf16> to vector<1024x128xf32>
    %bitcast_convert_type3A_82 = tpu.bitcast %convert_element_type3A_81 : vector<1024x128xf32> -> vector<1024x128xi32>
    %shift_right_arithmetic3A_83 = arith.constant 16 : i32
    %shift_right_arithmetic3A_84 = vector.broadcast %shift_right_arithmetic3A_83 : i32 to vector<1024x128xi32>
    %shift_right_arithmetic3A_85 = arith.shrsi %bitcast_convert_type3A_79, %shift_right_arithmetic3A_84 : vector<1024x128xi32>
    %and3A_86 = arith.constant 65535 : i32
    %and3A_87 = vector.broadcast %and3A_86 : i32 to vector<1024x128xi32>
    %and3A_88 = arith.andi %shift_right_arithmetic3A_85, %and3A_87 : vector<1024x128xi32>
    %and3A_89 = arith.constant -65536 : i32
    %and3A_90 = vector.broadcast %and3A_89 : i32 to vector<1024x128xi32>
    %and3A_91 = arith.andi %bitcast_convert_type3A_82, %and3A_90 : vector<1024x128xi32>
    %or3A_92 = arith.ori %and3A_88, %and3A_91 : vector<1024x128xi32>
    %swap3A_93 = arith.constant 1 : index
    %swap3A_94 = arith.constant 0 : index
    %swap3A_95 = arith.constant 0 : index
    %swap3A_96 = vector.load %arg8[%swap3A_93, %swap3A_94, %swap3A_95] : memref<2x1024x128xi32, #tpu.memory_space<vmem>>, vector<1x1024x128xi32>
    %swap3A_97 = vector.shape_cast %swap3A_96 : vector<1x1024x128xi32> to vector<1024x128xi32>
    %swap3A_98 = vector.shape_cast %or3A_92 : vector<1024x128xi32> to vector<1x1024x128xi32>
    tpu.vector_store %arg8[%swap3A_93, %swap3A_94, %swap3A_95], %swap3A_98 {strides = array<i32>} : memref<2x1024x128xi32, #tpu.memory_space<vmem>>, vector<1x1024x128xi32>,
    return
  }
}

module attributes {stable_mosaic.version = 14 : i64} {
  func.func @_k2_accum_body(%arg0: i32, %arg1: memref<2x25xi32, #tpu.memory_space<smem>>, %arg2: memref<2000x128xf32, #tpu.memory_space<vmem>>, %arg3: memref<2000x128xi32, #tpu.memory_space<vmem>>, %arg4: memref<1x1x2000xi32, #tpu.memory_space<vmem>>, %arg5: memref<128x128xbf16, #tpu.memory_space<vmem>>, %arg6: memref<1x128xf32, #tpu.memory_space<vmem>>, %arg7: memref<1x128xf32, #tpu.memory_space<vmem>>, %arg8: memref<128x8xf32, #tpu.memory_space<vmem>>, %arg9: memref<8x128xf32, #tpu.memory_space<vmem>>, %arg10: memref<1024x128xf32, #tpu.memory_space<vmem>>, %arg11: memref<1024x8xf32, #tpu.memory_space<vmem>>, %arg12: memref<1024x128xf32, #tpu.memory_space<vmem>>, %arg13: memref<1024x8xf32, #tpu.memory_space<vmem>>) attributes {dimension_semantics = [#tpu.dimension_semantics<arbitrary>], iteration_bounds = array<i64: 25>, scalar_prefetch = 1 : i64, scratch_operands = 0 : i64, tpu.core_type = #tpu.core_type<tc>, window_params = [{transform_indices = @transform_0, window_bounds = array<i64: 2000, 128>}, {transform_indices = @transform_1, window_bounds = array<i64: 2000, 128>}, {transform_indices = @transform_2, window_bounds = array<i64: 1, 1, 2000>}, {pipeline_mode = #tpu.pipeline_mode<synchronous>, transform_indices = @transform_3, window_bounds = array<i64: 128, 128>}, {pipeline_mode = #tpu.pipeline_mode<synchronous>, transform_indices = @transform_4, window_bounds = array<i64: 1, 128>}, {pipeline_mode = #tpu.pipeline_mode<synchronous>, transform_indices = @transform_5, window_bounds = array<i64: 1, 128>}, {pipeline_mode = #tpu.pipeline_mode<synchronous>, transform_indices = @transform_6, window_bounds = array<i64: 128, 8>}, {pipeline_mode = #tpu.pipeline_mode<synchronous>, transform_indices = @transform_7, window_bounds = array<i64: 8, 128>}, {pipeline_mode = #tpu.pipeline_mode<synchronous>, transform_indices = @transform_8, window_bounds = array<i64: 1024, 128>}, {pipeline_mode = #tpu.pipeline_mode<synchronous>, transform_indices = @transform_9, window_bounds = array<i64: 1024, 8>}, {pipeline_mode = #tpu.pipeline_mode<synchronous>, transform_indices = @transform_10, window_bounds = array<i64: 1024, 128>}, {pipeline_mode = #tpu.pipeline_mode<synchronous>, transform_indices = @transform_11, window_bounds = array<i64: 1024, 8>}]} {
    %eq3A = arith.constant 0 : i32
    %eq3A_0 = arith.cmpi eq, %arg0, %eq3A : i32
    %convert_element_type3A = arith.extui %eq3A_0 : i1 to i32
    %cond3A = arith.constant 0 : i32
    %cond3A_1 = arith.cmpi ne, %convert_element_type3A, %cond3A : i32
    scf.if %cond3A_1 {
      %broadcast_in_dim3A = arith.constant 0.000000e+00 : f32
      %broadcast_in_dim3A_62 = vector.broadcast %broadcast_in_dim3A : f32 to vector<1024x128xf32>
      %swap3A = arith.constant 0 : index
      %swap3A_63 = arith.constant 0 : index
      %swap3A_64 = vector.load %arg12[%swap3A, %swap3A_63] : memref<1024x128xf32, #tpu.memory_space<vmem>>, vector<1024x128xf32>
      tpu.vector_store %arg12[%swap3A, %swap3A_63], %broadcast_in_dim3A_62 {strides = array<i32>} : memref<1024x128xf32, #tpu.memory_space<vmem>>, vector<1024x128xf32>,
      %broadcast_in_dim3A_65 = arith.constant 0.000000e+00 : f32
      %broadcast_in_dim3A_66 = vector.broadcast %broadcast_in_dim3A_65 : f32 to vector<1024x8xf32>
      %swap3A_67 = arith.constant 0 : index
      %swap3A_68 = arith.constant 0 : index
      %swap3A_69 = vector.load %arg13[%swap3A_67, %swap3A_68] : memref<1024x8xf32, #tpu.memory_space<vmem>>, vector<1024x8xf32>
      tpu.vector_store %arg13[%swap3A_67, %swap3A_68], %broadcast_in_dim3A_66 {strides = array<i32>} : memref<1024x8xf32, #tpu.memory_space<vmem>>, vector<1024x8xf32>,
    } else {
    }
    %get3A = arith.constant 0 : index
    %get3A_2 = arith.constant 0 : index
    %get3A_3 = vector.load %arg2[%get3A, %get3A_2] : memref<2000x128xf32, #tpu.memory_space<vmem>>, vector<2000x128xf32>
    %convert_element_type3A_4 = arith.truncf %get3A_3 : vector<2000x128xf32> to vector<2000x128xbf16>
    %get3A_5 = arith.constant 0 : index
    %get3A_6 = arith.constant 0 : index
    %get3A_7 = vector.load %arg5[%get3A_5, %get3A_6] : memref<128x128xbf16, #tpu.memory_space<vmem>>, vector<128x128xbf16>
    %dot_general3A = arith.constant dense<0.000000e+00> : vector<2000x128xf32>
    %dot_general3A_8 = tpu.matmul %convert_element_type3A_4, %get3A_7, %dot_general3A {dimension_numbers = #tpu.dot_dimension_numbers<[1], [0], [0], [1], [0, 0, 1, 1], [], []>, transpose_lhs_hint = false} : vector<2000x128xbf16>, vector<128x128xbf16>, vector<2000x128xf32> -> vector<2000x128xf32>
    %get3A_9 = arith.constant 0 : index
    %get3A_10 = arith.constant 0 : index
    %get3A_11 = vector.load %arg6[%get3A_9, %get3A_10] : memref<1x128xf32, #tpu.memory_space<vmem>>, vector<1x128xf32>
    %add3A = vector.broadcast %get3A_11 : vector<1x128xf32> to vector<2000x128xf32>
    %add3A_12 = arith.addf %dot_general3A_8, %add3A : vector<2000x128xf32>
    %get3A_13 = arith.constant 0 : index
    %get3A_14 = arith.constant 0 : index
    %get3A_15 = vector.load %arg3[%get3A_13, %get3A_14] : memref<2000x128xi32, #tpu.memory_space<vmem>>, vector<2000x128xi32>
    %shift_left3A = arith.constant 16 : i32
    %shift_left3A_16 = vector.broadcast %shift_left3A : i32 to vector<2000x128xi32>
    %shift_left3A_17 = arith.shli %get3A_15, %shift_left3A_16 : vector<2000x128xi32>
    %bitcast_convert_type3A = tpu.bitcast %shift_left3A_17 : vector<2000x128xi32> -> vector<2000x128xf32>
    %and3A = arith.constant -65536 : i32
    %and3A_18 = vector.broadcast %and3A : i32 to vector<2000x128xi32>
    %and3A_19 = arith.andi %get3A_15, %and3A_18 : vector<2000x128xi32>
    %bitcast_convert_type3A_20 = tpu.bitcast %and3A_19 : vector<2000x128xi32> -> vector<2000x128xf32>
    %add3A_21 = arith.addf %add3A_12, %bitcast_convert_type3A : vector<2000x128xf32>
    %ge3A = arith.constant 0.000000e+00 : f32
    %ge3A_22 = vector.broadcast %ge3A : f32 to vector<2000x128xf32>
    %ge3A_23 = arith.cmpf oge, %add3A_21, %ge3A_22 : vector<2000x128xf32>
    %mul3A = arith.constant 0.00999999977 : f32
    %mul3A_24 = vector.broadcast %mul3A : f32 to vector<2000x128xf32>
    %mul3A_25 = arith.mulf %mul3A_24, %add3A_21 : vector<2000x128xf32>
    %select_n3A = arith.select %ge3A_23, %add3A_21, %mul3A_25 : vector<2000x128xi1>, vector<2000x128xf32>
    %get3A_26 = arith.constant 0 : index
    %get3A_27 = arith.constant 0 : index
    %get3A_28 = vector.load %arg7[%get3A_26, %get3A_27] : memref<1x128xf32, #tpu.memory_space<vmem>>, vector<1x128xf32>
    %mul3A_29 = vector.broadcast %get3A_28 : vector<1x128xf32> to vector<2000x128xf32>
    %mul3A_30 = arith.mulf %select_n3A, %mul3A_29 : vector<2000x128xf32>
    %add3A_31 = arith.addf %mul3A_30, %bitcast_convert_type3A_20 : vector<2000x128xf32>
    %get3A_32 = arith.constant 0 : index
    %get3A_33 = arith.constant 0 : index
    %get3A_34 = vector.load %arg8[%get3A_32, %get3A_33] : memref<128x8xf32, #tpu.memory_space<vmem>>, vector<128x8xf32>
    %dot_general3A_35 = arith.constant dense<0.000000e+00> : vector<2000x8xf32>
    %dot_general3A_36 = tpu.matmul %add3A_31, %get3A_34, %dot_general3A_35 {dimension_numbers = #tpu.dot_dimension_numbers<[1], [0], [0], [1], [0, 0, 1, 1], [], []>, transpose_lhs_hint = false} : vector<2000x128xf32>, vector<128x8xf32>, vector<2000x8xf32> -> vector<2000x8xf32>
    %min3A = arith.constant 6.000000e+01 : f32
    %min3A_37 = vector.broadcast %min3A : f32 to vector<2000x8xf32>
    %min3A_38 = arith.minimumf %dot_general3A_36, %min3A_37 : vector<2000x8xf32>
    %exp3A = math.exp %min3A_38 : vector<2000x8xf32>
    %get3A_39 = arith.constant 0 : index
    %get3A_40 = arith.constant 0 : index
    %get3A_41 = vector.load %arg9[%get3A_39, %get3A_40] : memref<8x128xf32, #tpu.memory_space<vmem>>, vector<8x128xf32>
    %dot_general3A_42 = arith.constant dense<0.000000e+00> : vector<2000x128xf32>
    %dot_general3A_43 = tpu.matmul %exp3A, %get3A_41, %dot_general3A_42 {dimension_numbers = #tpu.dot_dimension_numbers<[1], [0], [0], [1], [0, 0, 1, 1], [], []>, transpose_lhs_hint = false} : vector<2000x8xf32>, vector<8x128xf32>, vector<2000x128xf32> -> vector<2000x128xf32>
    %mul3A_44 = arith.mulf %add3A_12, %dot_general3A_43 : vector<2000x128xf32>
    %convert_element_type3A_45 = arith.truncf %mul3A_44 : vector<2000x128xf32> to vector<2000x128xbf16>
    %convert_element_type3A_46 = arith.truncf %exp3A : vector<2000x8xf32> to vector<2000x8xbf16>
    %get3A_47 = arith.constant 0 : index
    %get3A_48 = arith.index_cast %arg0 : i32 to index
    %get3A_49 = memref.load %arg1[%get3A_47, %get3A_48] : memref<2x25xi32, #tpu.memory_space<smem>>
    %get3A_50 = arith.constant 1 : index
    %get3A_51 = arith.index_cast %arg0 : i32 to index
    %get3A_52 = memref.load %arg1[%get3A_50, %get3A_51] : memref<2x25xi32, #tpu.memory_space<smem>>
    %eq3A_53 = arith.constant 0 : i32
    %eq3A_54 = arith.cmpi eq, %get3A_52, %eq3A_53 : i32
    %convert_element_type3A_55 = arith.extui %eq3A_54 : i1 to i32
    %cond3A_56 = arith.constant 0 : i32
    %cond3A_57 = arith.cmpi ne, %convert_element_type3A_55, %cond3A_56 : i32
    scf.if %cond3A_57 {
      %iota3A = tpu.iota {dimensions = array<i32: 0>} : vector<64x2000xi32>
      %add3A_62 = vector.broadcast %get3A_49 : i32 to vector<64x2000xi32>
      %add3A_63 = arith.addi %iota3A, %add3A_62 : vector<64x2000xi32>
      %get3A_64 = arith.constant 0 : index
      %get3A_65 = arith.constant 0 : index
      %get3A_66 = arith.constant 0 : index
      %get3A_67 = vector.load %arg4[%get3A_64, %get3A_65, %get3A_66] : memref<1x1x2000xi32, #tpu.memory_space<vmem>>, vector<1x1x2000xi32>
      %get3A_68 = vector.shape_cast %get3A_67 : vector<1x1x2000xi32> to vector<1x2000xi32>
      %eq3A_69 = vector.broadcast %get3A_68 : vector<1x2000xi32> to vector<64x2000xi32>
      %eq3A_70 = arith.cmpi eq, %add3A_63, %eq3A_69 : vector<64x2000xi32>
      %convert_element_type3A_71 = arith.extui %eq3A_70 : vector<64x2000xi1> to vector<64x2000xi32>
      %convert_element_type3A_72 = arith.sitofp %convert_element_type3A_71 : vector<64x2000xi32> to vector<64x2000xf32>
      %convert_element_type3A_73 = arith.truncf %convert_element_type3A_72 : vector<64x2000xf32> to vector<64x2000xbf16>
      %get3A_74 = arith.index_cast %get3A_49 : i32 to index
      %get3A_75 = arith.constant 0 : index
      %get3A_76 = vector.load %arg12[%get3A_74, %get3A_75] : memref<1024x128xf32, #tpu.memory_space<vmem>>, vector<64x128xf32>
      %dot_general3A_77 = arith.constant dense<0.000000e+00> : vector<64x128xf32>
      %dot_general3A_78 = tpu.matmul %convert_element_type3A_73, %convert_element_type3A_45, %dot_general3A_77 {dimension_numbers = #tpu.dot_dimension_numbers<[1], [0], [0], [1], [0, 0, 1, 1], [], []>, transpose_lhs_hint = false} : vector<64x2000xbf16>, vector<2000x128xbf16>, vector<64x128xf32> -> vector<64x128xf32>
      %add3A_79 = arith.addf %get3A_76, %dot_general3A_78 : vector<64x128xf32>
      %swap3A = arith.index_cast %get3A_49 : i32 to index
      %swap3A_80 = arith.constant 0 : index
      %swap3A_81 = vector.load %arg12[%swap3A, %swap3A_80] : memref<1024x128xf32, #tpu.memory_space<vmem>>, vector<64x128xf32>
      tpu.vector_store %arg12[%swap3A, %swap3A_80], %add3A_79 {strides = array<i32>} : memref<1024x128xf32, #tpu.memory_space<vmem>>, vector<64x128xf32>,
      %get3A_82 = arith.index_cast %get3A_49 : i32 to index
      %get3A_83 = arith.constant 0 : index
      %get3A_84 = vector.load %arg13[%get3A_82, %get3A_83] : memref<1024x8xf32, #tpu.memory_space<vmem>>, vector<64x8xf32>
      %dot_general3A_85 = arith.constant dense<0.000000e+00> : vector<64x8xf32>
      %dot_general3A_86 = tpu.matmul %convert_element_type3A_73, %convert_element_type3A_46, %dot_general3A_85 {dimension_numbers = #tpu.dot_dimension_numbers<[1], [0], [0], [1], [0, 0, 1, 1], [], []>, transpose_lhs_hint = false} : vector<64x2000xbf16>, vector<2000x8xbf16>, vector<64x8xf32> -> vector<64x8xf32>
      %add3A_87 = arith.addf %get3A_84, %dot_general3A_86 : vector<64x8xf32>
      %swap3A_88 = arith.index_cast %get3A_49 : i32 to index
      %swap3A_89 = arith.constant 0 : index
      %swap3A_90 = vector.load %arg13[%swap3A_88, %swap3A_89] : memref<1024x8xf32, #tpu.memory_space<vmem>>, vector<64x8xf32>
      tpu.vector_store %arg13[%swap3A_88, %swap3A_89], %add3A_87 {strides = array<i32>} : memref<1024x8xf32, #tpu.memory_space<vmem>>, vector<64x8xf32>,
    } else {
    }
    %ne3A = arith.constant 0 : i32
    %ne3A_58 = arith.cmpi ne, %get3A_52, %ne3A : i32
    %convert_element_type3A_59 = arith.extui %ne3A_58 : i1 to i32
    %cond3A_60 = arith.constant 0 : i32
    %cond3A_61 = arith.cmpi ne, %convert_element_type3A_59, %cond3A_60 : i32
    scf.if %cond3A_61 {
      %iota3A = tpu.iota {dimensions = array<i32: 0>} : vector<1024x2000xi32>
      %get3A_62 = arith.constant 0 : index
      %get3A_63 = arith.constant 0 : index
      %get3A_64 = arith.constant 0 : index
      %get3A_65 = vector.load %arg4[%get3A_62, %get3A_63, %get3A_64] : memref<1x1x2000xi32, #tpu.memory_space<vmem>>, vector<1x1x2000xi32>
      %get3A_66 = vector.shape_cast %get3A_65 : vector<1x1x2000xi32> to vector<1x2000xi32>
      %eq3A_67 = vector.broadcast %get3A_66 : vector<1x2000xi32> to vector<1024x2000xi32>
      %eq3A_68 = arith.cmpi eq, %iota3A, %eq3A_67 : vector<1024x2000xi32>
      %convert_element_type3A_69 = arith.extui %eq3A_68 : vector<1024x2000xi1> to vector<1024x2000xi32>
      %convert_element_type3A_70 = arith.sitofp %convert_element_type3A_69 : vector<1024x2000xi32> to vector<1024x2000xf32>
      %convert_element_type3A_71 = arith.truncf %convert_element_type3A_70 : vector<1024x2000xf32> to vector<1024x2000xbf16>
      %get3A_72 = arith.constant 0 : index
      %get3A_73 = arith.constant 0 : index
      %get3A_74 = vector.load %arg12[%get3A_72, %get3A_73] : memref<1024x128xf32, #tpu.memory_space<vmem>>, vector<1024x128xf32>
      %dot_general3A_75 = arith.constant dense<0.000000e+00> : vector<1024x128xf32>
      %dot_general3A_76 = tpu.matmul %convert_element_type3A_71, %convert_element_type3A_45, %dot_general3A_75 {dimension_numbers = #tpu.dot_dimension_numbers<[1], [0], [0], [1], [0, 0, 1, 1], [], []>, transpose_lhs_hint = false} : vector<1024x2000xbf16>, vector<2000x128xbf16>, vector<1024x128xf32> -> vector<1024x128xf32>
      %add3A_77 = arith.addf %get3A_74, %dot_general3A_76 : vector<1024x128xf32>
      %swap3A = arith.constant 0 : index
      %swap3A_78 = arith.constant 0 : index
      %swap3A_79 = vector.load %arg12[%swap3A, %swap3A_78] : memref<1024x128xf32, #tpu.memory_space<vmem>>, vector<1024x128xf32>
      tpu.vector_store %arg12[%swap3A, %swap3A_78], %add3A_77 {strides = array<i32>} : memref<1024x128xf32, #tpu.memory_space<vmem>>, vector<1024x128xf32>,
      %get3A_80 = arith.constant 0 : index
      %get3A_81 = arith.constant 0 : index
      %get3A_82 = vector.load %arg13[%get3A_80, %get3A_81] : memref<1024x8xf32, #tpu.memory_space<vmem>>, vector<1024x8xf32>
      %dot_general3A_83 = arith.constant dense<0.000000e+00> : vector<1024x8xf32>
      %dot_general3A_84 = tpu.matmul %convert_element_type3A_71, %convert_element_type3A_46, %dot_general3A_83 {dimension_numbers = #tpu.dot_dimension_numbers<[1], [0], [0], [1], [0, 0, 1, 1], [], []>, transpose_lhs_hint = false} : vector<1024x2000xbf16>, vector<2000x8xbf16>, vector<1024x8xf32> -> vector<1024x8xf32>
      %add3A_85 = arith.addf %get3A_82, %dot_general3A_84 : vector<1024x8xf32>
      %swap3A_86 = arith.constant 0 : index
      %swap3A_87 = arith.constant 0 : index
      %swap3A_88 = vector.load %arg13[%swap3A_86, %swap3A_87] : memref<1024x8xf32, #tpu.memory_space<vmem>>, vector<1024x8xf32>
      tpu.vector_store %arg13[%swap3A_86, %swap3A_87], %add3A_85 {strides = array<i32>} : memref<1024x8xf32, #tpu.memory_space<vmem>>, vector<1024x8xf32>,
    } else {
    }
    return
  }
  func.func @transform_0(%arg0: i32, %arg1: memref<2x25xi32, #tpu.memory_space<smem>>) -> (i32, i32) {
    %add3A = arith.constant 0 : i32
    %add3A_0 = arith.addi %arg0, %add3A : i32
    %c0_i32 = arith.constant 0 : i32
    %c0_i32_1 = arith.constant 0 : i32
    return %add3A_0, %c0_i32 : i32, i32
  }
  func.func @transform_1(%arg0: i32, %arg1: memref<2x25xi32, #tpu.memory_space<smem>>) -> (i32, i32) {
    %c0_i32 = arith.constant 0 : i32
    %c0_i32_0 = arith.constant 0 : i32
    return %arg0, %c0_i32 : i32, i32
  }
  func.func @transform_2(%arg0: i32, %arg1: memref<2x25xi32, #tpu.memory_space<smem>>) -> (i32, i32, i32) {
    %c0_i32 = arith.constant 0 : i32
    %c0_i32_0 = arith.constant 0 : i32
    %c0_i32_1 = arith.constant 0 : i32
    return %arg0, %c0_i32, %c0_i32_0 : i32, i32, i32
  }
  func.func @transform_3(%arg0: i32, %arg1: memref<2x25xi32, #tpu.memory_space<smem>>) -> (i32, i32) {
    %c0_i32 = arith.constant 0 : i32
    %c0_i32_0 = arith.constant 0 : i32
    %c0_i32_1 = arith.constant 0 : i32
    return %c0_i32, %c0_i32_0 : i32, i32
  }
  func.func @transform_4(%arg0: i32, %arg1: memref<2x25xi32, #tpu.memory_space<smem>>) -> (i32, i32) {
    %c0_i32 = arith.constant 0 : i32
    %c0_i32_0 = arith.constant 0 : i32
    %c0_i32_1 = arith.constant 0 : i32
    return %c0_i32, %c0_i32_0 : i32, i32
  }
  func.func @transform_5(%arg0: i32, %arg1: memref<2x25xi32, #tpu.memory_space<smem>>) -> (i32, i32) {
    %c0_i32 = arith.constant 0 : i32
    %c0_i32_0 = arith.constant 0 : i32
    %c0_i32_1 = arith.constant 0 : i32
    return %c0_i32, %c0_i32_0 : i32, i32
  }
  func.func @transform_6(%arg0: i32, %arg1: memref<2x25xi32, #tpu.memory_space<smem>>) -> (i32, i32) {
    %c0_i32 = arith.constant 0 : i32
    %c0_i32_0 = arith.constant 0 : i32
    %c0_i32_1 = arith.constant 0 : i32
    return %c0_i32, %c0_i32_0 : i32, i32
  }
  func.func @transform_7(%arg0: i32, %arg1: memref<2x25xi32, #tpu.memory_space<smem>>) -> (i32, i32) {
    %c0_i32 = arith.constant 0 : i32
    %c0_i32_0 = arith.constant 0 : i32
    %c0_i32_1 = arith.constant 0 : i32
    return %c0_i32, %c0_i32_0 : i32, i32
  }
  func.func @transform_8(%arg0: i32, %arg1: memref<2x25xi32, #tpu.memory_space<smem>>) -> (i32, i32) {
    %c0_i32 = arith.constant 0 : i32
    %c0_i32_0 = arith.constant 0 : i32
    %c0_i32_1 = arith.constant 0 : i32
    return %c0_i32, %c0_i32_0 : i32, i32
  }
  func.func @transform_9(%arg0: i32, %arg1: memref<2x25xi32, #tpu.memory_space<smem>>) -> (i32, i32) {
    %c0_i32 = arith.constant 0 : i32
    %c0_i32_0 = arith.constant 0 : i32
    %c0_i32_1 = arith.constant 0 : i32
    return %c0_i32, %c0_i32_0 : i32, i32
  }
  func.func @transform_10(%arg0: i32, %arg1: memref<2x25xi32, #tpu.memory_space<smem>>) -> (i32, i32) {
    %c0_i32 = arith.constant 0 : i32
    %c0_i32_0 = arith.constant 0 : i32
    %c0_i32_1 = arith.constant 0 : i32
    return %c0_i32, %c0_i32_0 : i32, i32
  }
  func.func @transform_11(%arg0: i32, %arg1: memref<2x25xi32, #tpu.memory_space<smem>>) -> (i32, i32) {
    %c0_i32 = arith.constant 0 : i32
    %c0_i32_0 = arith.constant 0 : i32
    %c0_i32_1 = arith.constant 0 : i32
    return %c0_i32, %c0_i32_0 : i32, i32
  }
}

module attributes {stable_mosaic.version = 14 : i64} {
  func.func @_k2_accum_body(%arg0: i32, %arg1: memref<2x25xi32, #tpu.memory_space<smem>>, %arg2: memref<2000x128xf32, #tpu.memory_space<vmem>>, %arg3: memref<2000x128xi32, #tpu.memory_space<vmem>>, %arg4: memref<1x1x2000xi32, #tpu.memory_space<vmem>>, %arg5: memref<128x128xbf16, #tpu.memory_space<vmem>>, %arg6: memref<1x128xf32, #tpu.memory_space<vmem>>, %arg7: memref<1x128xf32, #tpu.memory_space<vmem>>, %arg8: memref<128x8xf32, #tpu.memory_space<vmem>>, %arg9: memref<8x128xf32, #tpu.memory_space<vmem>>, %arg10: memref<1024x128xf32, #tpu.memory_space<vmem>>, %arg11: memref<1024x8xf32, #tpu.memory_space<vmem>>, %arg12: memref<1024x128xf32, #tpu.memory_space<vmem>>, %arg13: memref<1024x8xf32, #tpu.memory_space<vmem>>) attributes {dimension_semantics = [#tpu.dimension_semantics<arbitrary>], iteration_bounds = array<i64: 25>, scalar_prefetch = 1 : i64, scratch_operands = 0 : i64, tpu.core_type = #tpu.core_type<tc>, window_params = [{transform_indices = @transform_0, window_bounds = array<i64: 2000, 128>}, {transform_indices = @transform_1, window_bounds = array<i64: 2000, 128>}, {transform_indices = @transform_2, window_bounds = array<i64: 1, 1, 2000>}, {pipeline_mode = #tpu.pipeline_mode<synchronous>, transform_indices = @transform_3, window_bounds = array<i64: 128, 128>}, {pipeline_mode = #tpu.pipeline_mode<synchronous>, transform_indices = @transform_4, window_bounds = array<i64: 1, 128>}, {pipeline_mode = #tpu.pipeline_mode<synchronous>, transform_indices = @transform_5, window_bounds = array<i64: 1, 128>}, {pipeline_mode = #tpu.pipeline_mode<synchronous>, transform_indices = @transform_6, window_bounds = array<i64: 128, 8>}, {pipeline_mode = #tpu.pipeline_mode<synchronous>, transform_indices = @transform_7, window_bounds = array<i64: 8, 128>}, {pipeline_mode = #tpu.pipeline_mode<synchronous>, transform_indices = @transform_8, window_bounds = array<i64: 1024, 128>}, {pipeline_mode = #tpu.pipeline_mode<synchronous>, transform_indices = @transform_9, window_bounds = array<i64: 1024, 8>}, {pipeline_mode = #tpu.pipeline_mode<synchronous>, transform_indices = @transform_10, window_bounds = array<i64: 1024, 128>}, {pipeline_mode = #tpu.pipeline_mode<synchronous>, transform_indices = @transform_11, window_bounds = array<i64: 1024, 8>}]} {
    %eq3A = arith.constant 0 : i32
    %eq3A_0 = arith.cmpi eq, %arg0, %eq3A : i32
    %convert_element_type3A = arith.extui %eq3A_0 : i1 to i32
    %cond3A = arith.constant 0 : i32
    %cond3A_1 = arith.cmpi ne, %convert_element_type3A, %cond3A : i32
    scf.if %cond3A_1 {
      %get3A_62 = arith.constant 0 : index
      %get3A_63 = arith.constant 0 : index
      %get3A_64 = vector.load %arg10[%get3A_62, %get3A_63] : memref<1024x128xf32, #tpu.memory_space<vmem>>, vector<1024x128xf32>
      %swap3A = arith.constant 0 : index
      %swap3A_65 = arith.constant 0 : index
      %swap3A_66 = vector.load %arg12[%swap3A, %swap3A_65] : memref<1024x128xf32, #tpu.memory_space<vmem>>, vector<1024x128xf32>
      tpu.vector_store %arg12[%swap3A, %swap3A_65], %get3A_64 {strides = array<i32>} : memref<1024x128xf32, #tpu.memory_space<vmem>>, vector<1024x128xf32>,
      %get3A_67 = arith.constant 0 : index
      %get3A_68 = arith.constant 0 : index
      %get3A_69 = vector.load %arg11[%get3A_67, %get3A_68] : memref<1024x8xf32, #tpu.memory_space<vmem>>, vector<1024x8xf32>
      %swap3A_70 = arith.constant 0 : index
      %swap3A_71 = arith.constant 0 : index
      %swap3A_72 = vector.load %arg13[%swap3A_70, %swap3A_71] : memref<1024x8xf32, #tpu.memory_space<vmem>>, vector<1024x8xf32>
      tpu.vector_store %arg13[%swap3A_70, %swap3A_71], %get3A_69 {strides = array<i32>} : memref<1024x8xf32, #tpu.memory_space<vmem>>, vector<1024x8xf32>,
    } else {
    }
    %get3A = arith.constant 0 : index
    %get3A_2 = arith.constant 0 : index
    %get3A_3 = vector.load %arg2[%get3A, %get3A_2] : memref<2000x128xf32, #tpu.memory_space<vmem>>, vector<2000x128xf32>
    %convert_element_type3A_4 = arith.truncf %get3A_3 : vector<2000x128xf32> to vector<2000x128xbf16>
    %get3A_5 = arith.constant 0 : index
    %get3A_6 = arith.constant 0 : index
    %get3A_7 = vector.load %arg5[%get3A_5, %get3A_6] : memref<128x128xbf16, #tpu.memory_space<vmem>>, vector<128x128xbf16>
    %dot_general3A = arith.constant dense<0.000000e+00> : vector<2000x128xf32>
    %dot_general3A_8 = tpu.matmul %convert_element_type3A_4, %get3A_7, %dot_general3A {dimension_numbers = #tpu.dot_dimension_numbers<[1], [0], [0], [1], [0, 0, 1, 1], [], []>, transpose_lhs_hint = false} : vector<2000x128xbf16>, vector<128x128xbf16>, vector<2000x128xf32> -> vector<2000x128xf32>
    %get3A_9 = arith.constant 0 : index
    %get3A_10 = arith.constant 0 : index
    %get3A_11 = vector.load %arg6[%get3A_9, %get3A_10] : memref<1x128xf32, #tpu.memory_space<vmem>>, vector<1x128xf32>
    %add3A = vector.broadcast %get3A_11 : vector<1x128xf32> to vector<2000x128xf32>
    %add3A_12 = arith.addf %dot_general3A_8, %add3A : vector<2000x128xf32>
    %get3A_13 = arith.constant 0 : index
    %get3A_14 = arith.constant 0 : index
    %get3A_15 = vector.load %arg3[%get3A_13, %get3A_14] : memref<2000x128xi32, #tpu.memory_space<vmem>>, vector<2000x128xi32>
    %shift_left3A = arith.constant 16 : i32
    %shift_left3A_16 = vector.broadcast %shift_left3A : i32 to vector<2000x128xi32>
    %shift_left3A_17 = arith.shli %get3A_15, %shift_left3A_16 : vector<2000x128xi32>
    %bitcast_convert_type3A = tpu.bitcast %shift_left3A_17 : vector<2000x128xi32> -> vector<2000x128xf32>
    %and3A = arith.constant -65536 : i32
    %and3A_18 = vector.broadcast %and3A : i32 to vector<2000x128xi32>
    %and3A_19 = arith.andi %get3A_15, %and3A_18 : vector<2000x128xi32>
    %bitcast_convert_type3A_20 = tpu.bitcast %and3A_19 : vector<2000x128xi32> -> vector<2000x128xf32>
    %add3A_21 = arith.addf %add3A_12, %bitcast_convert_type3A : vector<2000x128xf32>
    %ge3A = arith.constant 0.000000e+00 : f32
    %ge3A_22 = vector.broadcast %ge3A : f32 to vector<2000x128xf32>
    %ge3A_23 = arith.cmpf oge, %add3A_21, %ge3A_22 : vector<2000x128xf32>
    %mul3A = arith.constant 0.00999999977 : f32
    %mul3A_24 = vector.broadcast %mul3A : f32 to vector<2000x128xf32>
    %mul3A_25 = arith.mulf %mul3A_24, %add3A_21 : vector<2000x128xf32>
    %select_n3A = arith.select %ge3A_23, %add3A_21, %mul3A_25 : vector<2000x128xi1>, vector<2000x128xf32>
    %get3A_26 = arith.constant 0 : index
    %get3A_27 = arith.constant 0 : index
    %get3A_28 = vector.load %arg7[%get3A_26, %get3A_27] : memref<1x128xf32, #tpu.memory_space<vmem>>, vector<1x128xf32>
    %mul3A_29 = vector.broadcast %get3A_28 : vector<1x128xf32> to vector<2000x128xf32>
    %mul3A_30 = arith.mulf %select_n3A, %mul3A_29 : vector<2000x128xf32>
    %add3A_31 = arith.addf %mul3A_30, %bitcast_convert_type3A_20 : vector<2000x128xf32>
    %get3A_32 = arith.constant 0 : index
    %get3A_33 = arith.constant 0 : index
    %get3A_34 = vector.load %arg8[%get3A_32, %get3A_33] : memref<128x8xf32, #tpu.memory_space<vmem>>, vector<128x8xf32>
    %dot_general3A_35 = arith.constant dense<0.000000e+00> : vector<2000x8xf32>
    %dot_general3A_36 = tpu.matmul %add3A_31, %get3A_34, %dot_general3A_35 {dimension_numbers = #tpu.dot_dimension_numbers<[1], [0], [0], [1], [0, 0, 1, 1], [], []>, transpose_lhs_hint = false} : vector<2000x128xf32>, vector<128x8xf32>, vector<2000x8xf32> -> vector<2000x8xf32>
    %min3A = arith.constant 6.000000e+01 : f32
    %min3A_37 = vector.broadcast %min3A : f32 to vector<2000x8xf32>
    %min3A_38 = arith.minimumf %dot_general3A_36, %min3A_37 : vector<2000x8xf32>
    %exp3A = math.exp %min3A_38 : vector<2000x8xf32>
    %get3A_39 = arith.constant 0 : index
    %get3A_40 = arith.constant 0 : index
    %get3A_41 = vector.load %arg9[%get3A_39, %get3A_40] : memref<8x128xf32, #tpu.memory_space<vmem>>, vector<8x128xf32>
    %dot_general3A_42 = arith.constant dense<0.000000e+00> : vector<2000x128xf32>
    %dot_general3A_43 = tpu.matmul %exp3A, %get3A_41, %dot_general3A_42 {dimension_numbers = #tpu.dot_dimension_numbers<[1], [0], [0], [1], [0, 0, 1, 1], [], []>, transpose_lhs_hint = false} : vector<2000x8xf32>, vector<8x128xf32>, vector<2000x128xf32> -> vector<2000x128xf32>
    %mul3A_44 = arith.mulf %add3A_12, %dot_general3A_43 : vector<2000x128xf32>
    %convert_element_type3A_45 = arith.truncf %mul3A_44 : vector<2000x128xf32> to vector<2000x128xbf16>
    %convert_element_type3A_46 = arith.truncf %exp3A : vector<2000x8xf32> to vector<2000x8xbf16>
    %get3A_47 = arith.constant 0 : index
    %get3A_48 = arith.index_cast %arg0 : i32 to index
    %get3A_49 = memref.load %arg1[%get3A_47, %get3A_48] : memref<2x25xi32, #tpu.memory_space<smem>>
    %get3A_50 = arith.constant 1 : index
    %get3A_51 = arith.index_cast %arg0 : i32 to index
    %get3A_52 = memref.load %arg1[%get3A_50, %get3A_51] : memref<2x25xi32, #tpu.memory_space<smem>>
    %eq3A_53 = arith.constant 0 : i32
    %eq3A_54 = arith.cmpi eq, %get3A_52, %eq3A_53 : i32
    %convert_element_type3A_55 = arith.extui %eq3A_54 : i1 to i32
    %cond3A_56 = arith.constant 0 : i32
    %cond3A_57 = arith.cmpi ne, %convert_element_type3A_55, %cond3A_56 : i32
    scf.if %cond3A_57 {
      %iota3A = tpu.iota {dimensions = array<i32: 0>} : vector<64x2000xi32>
      %add3A_62 = vector.broadcast %get3A_49 : i32 to vector<64x2000xi32>
      %add3A_63 = arith.addi %iota3A, %add3A_62 : vector<64x2000xi32>
      %get3A_64 = arith.constant 0 : index
      %get3A_65 = arith.constant 0 : index
      %get3A_66 = arith.constant 0 : index
      %get3A_67 = vector.load %arg4[%get3A_64, %get3A_65, %get3A_66] : memref<1x1x2000xi32, #tpu.memory_space<vmem>>, vector<1x1x2000xi32>
      %get3A_68 = vector.shape_cast %get3A_67 : vector<1x1x2000xi32> to vector<1x2000xi32>
      %eq3A_69 = vector.broadcast %get3A_68 : vector<1x2000xi32> to vector<64x2000xi32>
      %eq3A_70 = arith.cmpi eq, %add3A_63, %eq3A_69 : vector<64x2000xi32>
      %convert_element_type3A_71 = arith.extui %eq3A_70 : vector<64x2000xi1> to vector<64x2000xi32>
      %convert_element_type3A_72 = arith.sitofp %convert_element_type3A_71 : vector<64x2000xi32> to vector<64x2000xf32>
      %convert_element_type3A_73 = arith.truncf %convert_element_type3A_72 : vector<64x2000xf32> to vector<64x2000xbf16>
      %get3A_74 = arith.index_cast %get3A_49 : i32 to index
      %get3A_75 = arith.constant 0 : index
      %get3A_76 = vector.load %arg12[%get3A_74, %get3A_75] : memref<1024x128xf32, #tpu.memory_space<vmem>>, vector<64x128xf32>
      %dot_general3A_77 = arith.constant dense<0.000000e+00> : vector<64x128xf32>
      %dot_general3A_78 = tpu.matmul %convert_element_type3A_73, %convert_element_type3A_45, %dot_general3A_77 {dimension_numbers = #tpu.dot_dimension_numbers<[1], [0], [0], [1], [0, 0, 1, 1], [], []>, transpose_lhs_hint = false} : vector<64x2000xbf16>, vector<2000x128xbf16>, vector<64x128xf32> -> vector<64x128xf32>
      %add3A_79 = arith.addf %get3A_76, %dot_general3A_78 : vector<64x128xf32>
      %swap3A = arith.index_cast %get3A_49 : i32 to index
      %swap3A_80 = arith.constant 0 : index
      %swap3A_81 = vector.load %arg12[%swap3A, %swap3A_80] : memref<1024x128xf32, #tpu.memory_space<vmem>>, vector<64x128xf32>
      tpu.vector_store %arg12[%swap3A, %swap3A_80], %add3A_79 {strides = array<i32>} : memref<1024x128xf32, #tpu.memory_space<vmem>>, vector<64x128xf32>,
      %get3A_82 = arith.index_cast %get3A_49 : i32 to index
      %get3A_83 = arith.constant 0 : index
      %get3A_84 = vector.load %arg13[%get3A_82, %get3A_83] : memref<1024x8xf32, #tpu.memory_space<vmem>>, vector<64x8xf32>
      %dot_general3A_85 = arith.constant dense<0.000000e+00> : vector<64x8xf32>
      %dot_general3A_86 = tpu.matmul %convert_element_type3A_73, %convert_element_type3A_46, %dot_general3A_85 {dimension_numbers = #tpu.dot_dimension_numbers<[1], [0], [0], [1], [0, 0, 1, 1], [], []>, transpose_lhs_hint = false} : vector<64x2000xbf16>, vector<2000x8xbf16>, vector<64x8xf32> -> vector<64x8xf32>
      %add3A_87 = arith.addf %get3A_84, %dot_general3A_86 : vector<64x8xf32>
      %swap3A_88 = arith.index_cast %get3A_49 : i32 to index
      %swap3A_89 = arith.constant 0 : index
      %swap3A_90 = vector.load %arg13[%swap3A_88, %swap3A_89] : memref<1024x8xf32, #tpu.memory_space<vmem>>, vector<64x8xf32>
      tpu.vector_store %arg13[%swap3A_88, %swap3A_89], %add3A_87 {strides = array<i32>} : memref<1024x8xf32, #tpu.memory_space<vmem>>, vector<64x8xf32>,
    } else {
    }
    %ne3A = arith.constant 0 : i32
    %ne3A_58 = arith.cmpi ne, %get3A_52, %ne3A : i32
    %convert_element_type3A_59 = arith.extui %ne3A_58 : i1 to i32
    %cond3A_60 = arith.constant 0 : i32
    %cond3A_61 = arith.cmpi ne, %convert_element_type3A_59, %cond3A_60 : i32
    scf.if %cond3A_61 {
      %iota3A = tpu.iota {dimensions = array<i32: 0>} : vector<1024x2000xi32>
      %get3A_62 = arith.constant 0 : index
      %get3A_63 = arith.constant 0 : index
      %get3A_64 = arith.constant 0 : index
      %get3A_65 = vector.load %arg4[%get3A_62, %get3A_63, %get3A_64] : memref<1x1x2000xi32, #tpu.memory_space<vmem>>, vector<1x1x2000xi32>
      %get3A_66 = vector.shape_cast %get3A_65 : vector<1x1x2000xi32> to vector<1x2000xi32>
      %eq3A_67 = vector.broadcast %get3A_66 : vector<1x2000xi32> to vector<1024x2000xi32>
      %eq3A_68 = arith.cmpi eq, %iota3A, %eq3A_67 : vector<1024x2000xi32>
      %convert_element_type3A_69 = arith.extui %eq3A_68 : vector<1024x2000xi1> to vector<1024x2000xi32>
      %convert_element_type3A_70 = arith.sitofp %convert_element_type3A_69 : vector<1024x2000xi32> to vector<1024x2000xf32>
      %convert_element_type3A_71 = arith.truncf %convert_element_type3A_70 : vector<1024x2000xf32> to vector<1024x2000xbf16>
      %get3A_72 = arith.constant 0 : index
      %get3A_73 = arith.constant 0 : index
      %get3A_74 = vector.load %arg12[%get3A_72, %get3A_73] : memref<1024x128xf32, #tpu.memory_space<vmem>>, vector<1024x128xf32>
      %dot_general3A_75 = arith.constant dense<0.000000e+00> : vector<1024x128xf32>
      %dot_general3A_76 = tpu.matmul %convert_element_type3A_71, %convert_element_type3A_45, %dot_general3A_75 {dimension_numbers = #tpu.dot_dimension_numbers<[1], [0], [0], [1], [0, 0, 1, 1], [], []>, transpose_lhs_hint = false} : vector<1024x2000xbf16>, vector<2000x128xbf16>, vector<1024x128xf32> -> vector<1024x128xf32>
      %add3A_77 = arith.addf %get3A_74, %dot_general3A_76 : vector<1024x128xf32>
      %swap3A = arith.constant 0 : index
      %swap3A_78 = arith.constant 0 : index
      %swap3A_79 = vector.load %arg12[%swap3A, %swap3A_78] : memref<1024x128xf32, #tpu.memory_space<vmem>>, vector<1024x128xf32>
      tpu.vector_store %arg12[%swap3A, %swap3A_78], %add3A_77 {strides = array<i32>} : memref<1024x128xf32, #tpu.memory_space<vmem>>, vector<1024x128xf32>,
      %get3A_80 = arith.constant 0 : index
      %get3A_81 = arith.constant 0 : index
      %get3A_82 = vector.load %arg13[%get3A_80, %get3A_81] : memref<1024x8xf32, #tpu.memory_space<vmem>>, vector<1024x8xf32>
      %dot_general3A_83 = arith.constant dense<0.000000e+00> : vector<1024x8xf32>
      %dot_general3A_84 = tpu.matmul %convert_element_type3A_71, %convert_element_type3A_46, %dot_general3A_83 {dimension_numbers = #tpu.dot_dimension_numbers<[1], [0], [0], [1], [0, 0, 1, 1], [], []>, transpose_lhs_hint = false} : vector<1024x2000xbf16>, vector<2000x8xbf16>, vector<1024x8xf32> -> vector<1024x8xf32>
      %add3A_85 = arith.addf %get3A_82, %dot_general3A_84 : vector<1024x8xf32>
      %swap3A_86 = arith.constant 0 : index
      %swap3A_87 = arith.constant 0 : index
      %swap3A_88 = vector.load %arg13[%swap3A_86, %swap3A_87] : memref<1024x8xf32, #tpu.memory_space<vmem>>, vector<1024x8xf32>
      tpu.vector_store %arg13[%swap3A_86, %swap3A_87], %add3A_85 {strides = array<i32>} : memref<1024x8xf32, #tpu.memory_space<vmem>>, vector<1024x8xf32>,
    } else {
    }
    return
  }
  func.func @transform_0(%arg0: i32, %arg1: memref<2x25xi32, #tpu.memory_space<smem>>) -> (i32, i32) {
    %add3A = arith.constant 25 : i32
    %add3A_0 = arith.addi %arg0, %add3A : i32
    %c0_i32 = arith.constant 0 : i32
    %c0_i32_1 = arith.constant 0 : i32
    return %add3A_0, %c0_i32 : i32, i32
  }
  func.func @transform_1(%arg0: i32, %arg1: memref<2x25xi32, #tpu.memory_space<smem>>) -> (i32, i32) {
    %c0_i32 = arith.constant 0 : i32
    %c0_i32_0 = arith.constant 0 : i32
    return %arg0, %c0_i32 : i32, i32
  }
  func.func @transform_2(%arg0: i32, %arg1: memref<2x25xi32, #tpu.memory_space<smem>>) -> (i32, i32, i32) {
    %c0_i32 = arith.constant 0 : i32
    %c0_i32_0 = arith.constant 0 : i32
    %c0_i32_1 = arith.constant 0 : i32
    return %arg0, %c0_i32, %c0_i32_0 : i32, i32, i32
  }
  func.func @transform_3(%arg0: i32, %arg1: memref<2x25xi32, #tpu.memory_space<smem>>) -> (i32, i32) {
    %c0_i32 = arith.constant 0 : i32
    %c0_i32_0 = arith.constant 0 : i32
    %c0_i32_1 = arith.constant 0 : i32
    return %c0_i32, %c0_i32_0 : i32, i32
  }
  func.func @transform_4(%arg0: i32, %arg1: memref<2x25xi32, #tpu.memory_space<smem>>) -> (i32, i32) {
    %c0_i32 = arith.constant 0 : i32
    %c0_i32_0 = arith.constant 0 : i32
    %c0_i32_1 = arith.constant 0 : i32
    return %c0_i32, %c0_i32_0 : i32, i32
  }
  func.func @transform_5(%arg0: i32, %arg1: memref<2x25xi32, #tpu.memory_space<smem>>) -> (i32, i32) {
    %c0_i32 = arith.constant 0 : i32
    %c0_i32_0 = arith.constant 0 : i32
    %c0_i32_1 = arith.constant 0 : i32
    return %c0_i32, %c0_i32_0 : i32, i32
  }
  func.func @transform_6(%arg0: i32, %arg1: memref<2x25xi32, #tpu.memory_space<smem>>) -> (i32, i32) {
    %c0_i32 = arith.constant 0 : i32
    %c0_i32_0 = arith.constant 0 : i32
    %c0_i32_1 = arith.constant 0 : i32
    return %c0_i32, %c0_i32_0 : i32, i32
  }
  func.func @transform_7(%arg0: i32, %arg1: memref<2x25xi32, #tpu.memory_space<smem>>) -> (i32, i32) {
    %c0_i32 = arith.constant 0 : i32
    %c0_i32_0 = arith.constant 0 : i32
    %c0_i32_1 = arith.constant 0 : i32
    return %c0_i32, %c0_i32_0 : i32, i32
  }
  func.func @transform_8(%arg0: i32, %arg1: memref<2x25xi32, #tpu.memory_space<smem>>) -> (i32, i32) {
    %c0_i32 = arith.constant 0 : i32
    %c0_i32_0 = arith.constant 0 : i32
    %c0_i32_1 = arith.constant 0 : i32
    return %c0_i32, %c0_i32_0 : i32, i32
  }
  func.func @transform_9(%arg0: i32, %arg1: memref<2x25xi32, #tpu.memory_space<smem>>) -> (i32, i32) {
    %c0_i32 = arith.constant 0 : i32
    %c0_i32_0 = arith.constant 0 : i32
    %c0_i32_1 = arith.constant 0 : i32
    return %c0_i32, %c0_i32_0 : i32, i32
  }
  func.func @transform_10(%arg0: i32, %arg1: memref<2x25xi32, #tpu.memory_space<smem>>) -> (i32, i32) {
    %c0_i32 = arith.constant 0 : i32
    %c0_i32_0 = arith.constant 0 : i32
    %c0_i32_1 = arith.constant 0 : i32
    return %c0_i32, %c0_i32_0 : i32, i32
  }
  func.func @transform_11(%arg0: i32, %arg1: memref<2x25xi32, #tpu.memory_space<smem>>) -> (i32, i32) {
    %c0_i32 = arith.constant 0 : i32
    %c0_i32_0 = arith.constant 0 : i32
    %c0_i32_1 = arith.constant 0 : i32
    return %c0_i32, %c0_i32_0 : i32, i32
  }
}

module attributes {stable_mosaic.version = 14 : i64} {
  func.func @_k3_body(%arg0: memref<1024x128xf32, #tpu.memory_space<vmem>>, %arg1: memref<1024x8xf32, #tpu.memory_space<vmem>>, %arg2: memref<8x128xf32, #tpu.memory_space<vmem>>, %arg3: memref<128x128xf32, #tpu.memory_space<vmem>>, %arg4: memref<1x128xf32, #tpu.memory_space<vmem>>, %arg5: memref<1024x128xf32, #tpu.memory_space<vmem>>) attributes {dimension_semantics = [], scalar_prefetch = 0 : i64, scratch_operands = 0 : i64, tpu.core_type = #tpu.core_type<tc>} {
    %get3A = arith.constant 0 : index
    %get3A_0 = arith.constant 0 : index
    %get3A_1 = vector.load %arg1[%get3A, %get3A_0] : memref<1024x8xf32, #tpu.memory_space<vmem>>, vector<1024x8xf32>
    %add3A = arith.constant 9.99999971E-10 : f32
    %add3A_2 = vector.broadcast %add3A : f32 to vector<1024x8xf32>
    %add3A_3 = arith.addf %get3A_1, %add3A_2 : vector<1024x8xf32>
    %get3A_4 = arith.constant 0 : index
    %get3A_5 = arith.constant 0 : index
    %get3A_6 = vector.load %arg2[%get3A_4, %get3A_5] : memref<8x128xf32, #tpu.memory_space<vmem>>, vector<8x128xf32>
    %dot_general3A = arith.constant dense<0.000000e+00> : vector<1024x128xf32>
    %dot_general3A_7 = tpu.matmul %add3A_3, %get3A_6, %dot_general3A {dimension_numbers = #tpu.dot_dimension_numbers<[1], [0], [0], [1], [0, 0, 1, 1], [], []>, transpose_lhs_hint = false} : vector<1024x8xf32>, vector<8x128xf32>, vector<1024x128xf32> -> vector<1024x128xf32>
    %get3A_8 = arith.constant 0 : index
    %get3A_9 = arith.constant 0 : index
    %get3A_10 = vector.load %arg0[%get3A_8, %get3A_9] : memref<1024x128xf32, #tpu.memory_space<vmem>>, vector<1024x128xf32>
    %div3A = arith.divf %get3A_10, %dot_general3A_7 : vector<1024x128xf32>
    %get3A_11 = arith.constant 0 : index
    %get3A_12 = arith.constant 0 : index
    %get3A_13 = vector.load %arg3[%get3A_11, %get3A_12] : memref<128x128xf32, #tpu.memory_space<vmem>>, vector<128x128xf32>
    %dot_general3A_14 = arith.constant dense<0.000000e+00> : vector<1024x128xf32>
    %dot_general3A_15 = tpu.matmul %div3A, %get3A_13, %dot_general3A_14 {dimension_numbers = #tpu.dot_dimension_numbers<[1], [0], [0], [1], [0, 0, 1, 1], [], []>, transpose_lhs_hint = false} : vector<1024x128xf32>, vector<128x128xf32>, vector<1024x128xf32> -> vector<1024x128xf32>
    %get3A_16 = arith.constant 0 : index
    %get3A_17 = arith.constant 0 : index
    %get3A_18 = vector.load %arg4[%get3A_16, %get3A_17] : memref<1x128xf32, #tpu.memory_space<vmem>>, vector<1x128xf32>
    %add3A_19 = vector.broadcast %get3A_18 : vector<1x128xf32> to vector<1024x128xf32>
    %add3A_20 = arith.addf %dot_general3A_15, %add3A_19 : vector<1024x128xf32>
    %swap3A = arith.constant 0 : index
    %swap3A_21 = arith.constant 0 : index
    %swap3A_22 = vector.load %arg5[%swap3A, %swap3A_21] : memref<1024x128xf32, #tpu.memory_space<vmem>>, vector<1024x128xf32>
    tpu.vector_store %arg5[%swap3A, %swap3A_21], %add3A_20 {strides = array<i32>} : memref<1024x128xf32, #tpu.memory_space<vmem>>, vector<1024x128xf32>,
    return
  }
}

</mosaic_0001>

<sc_bundles>
// kernel: kernel.11.cloned.1.call-start
scs
__scs_entry_jumppad:
0x0: {  	(pc) =	sbr.rel $0x88, $3  }
0x1: {  	(tag) =	ssettag $0x0;
	lr =	simm.s32 $0x1  }
0x2: {  	[smem:$0x3F90] =	sst lr;
	_ =	strace $0xD0000000  }
0x3: {  	_ = 	snop  }
0x4: {  	_ = 	snop  }
0x5: {  	_ = 	snop  }
0x6: {  	_ = 	snop  }
0x7: {  	_ = 	snop  }
__scs_overlays_trampoline_lowered:
0x8: {  	[smem:$0x3F9F] =	sst s0  }
0x9: {  	[smem:$0x3FA0] =	sst s1  }
0xa: {  	[smem:$0x3FA1] =	sst s2  }
0xb: {  	[smem:$0x3FA2] =	sst s3  }
0xc: {  	[smem:$0x3FA3] =	sst s4  }
0xd: {  	[smem:$0x3FA4] =	sst s5  }
0xe: {  	[smem:$0x3FA5] =	sst s6  }
0xf: {  	[smem:$0x3FA6] =	sst s7  }
0x10: {  	[smem:$0x3FA7] =	sst s8  }
0x11: {  	[smem:$0x3FA8] =	sst s9;
	s0 =	simm.s32 @!p0 $0x0  }
0x12: {  	s1 =	sld [smem:$0x3F8E];
	s0 =	simm.s32 @p0 $0x1  }
0x13: {  	[smem:$0x3FA9] =	sst s0;
	s0 =	simm.s32 @!p1 $0x0  }
0x14: {  	s2 =	sld [smem:$0x3F8D];
	s0 =	simm.s32 @p1 $0x1  }
0x15: {  	[smem:$0x3FAA] =	sst s0;
	s0 =	simm.s32 @!p2 $0x0  }
0x16: {  	s3 =	sld [smem:$0x3FDB];
	s0 =	simm.s32 @p2 $0x1  }
0x17: {  	s4 =	simm.s32 $0x1BF5;
	[smem:$0x3FAC] =	sst s0  }
0x18: {  	s0 =	sld [smem:$0x3F8F];
	_ =	swait.ge [sflag:s4], $0x0  }
0x19: {  	s7 =	sld [smem:$0x3F90]  }
0x1a: {  	s8 =	sadd.s32 $0xFFFFE003, lr  }
0x1b: {  	s9 =	sadd.s32 $0xFFFFFEF7, lr;
	s5 =	simm.s32 $0xFFFFFFFF;
	p2 =	slt.u32 s8, $0xFFFFF086  }
0x1c: {  	p1 =	slt.u32 s9, $0xF7A;
	s5 =	simm.s32 @!p2 $0x0  }
0x1d: {  	s5 =	simm.s32 @p1 $0x1;
	p0 =	seq.s32 s7, s2  }
0x1e: {  	s7 =	smul.u32 @!p0 $0xF7A, s2;
	p2 =	seq.s32 @!p0 s5, $0x0  }
0x1f: {  	s9 =	smul.u32 $0xF7A, s1;
	s8 =	simm.s32 @!p0 $0x1BF5;
	p2 =	por !p2, p0  }
0x20: {  	[sflag:s8] =	ssyncset.s32 @!p0 $0xFFFFF086;
	s6 =	sadd.s32 @!p0 s3, s7;
	s7 =	simm.s32 @!p0 $0x108  }
0x21: {  	s3 =	sadd.s32 s3, s9;
	s6 =	sadd.s32 @!p0 $0x88, s6;
	s7 =	simm.s32 @p2 $0x1082  }
0x22: {  	[simem:s7], [sflag:s8] =	dma.local @!p0 [hbm:s6], $0xF7A  }
0x23: {  	s9 =	sor.u32 $0xD0000000, s2;
	s6 =	simm.s32 $0x108;
	_ =	swait.ge @!p0 [sflag:s8], $0x0  }
0x24: {  	s3 =	sadd.s32 $0x88, s3;
	s6 =	simm.s32 @!p1 $0x1082;
	[sflag:s4] =	ssyncset.s32 $0xFFFFF086  }
0x25: {  	[simem:s6], [sflag:s4] =	dma.local [hbm:s3], $0xF7A  }
0x26: {  	[smem:$0x3F90] =	sst s1;
	(tag) =	ssettag s2;
	_ =	strace s9  }
0x27: {  	s1 =	sld [smem:$0x3FA0]  }
0x28: {  	s2 =	sld [smem:$0x3FA1]  }
0x29: {  	s4 =	sld [smem:$0x3FA3]  }
0x2a: {  	p0 =	seq.s32 s5, $0x0;
	s5 =	sld [smem:$0x3FA4]  }
0x2b: {  	s6 =	sld [smem:$0x3FA5]  }
0x2c: {  	s7 =	sld [smem:$0x3FA6]  }
0x2d: {  	s3 =	simm.s32 $0x108;
	s8 =	sld [smem:$0x3FA7]  }
0x2e: {  	s3 =	simm.s32 @!p0 $0x1082;
	s9 =	sld [smem:$0x3FA8]  }
0x2f: {  	lr =	sadd.s32 s0, s3;
	s0 =	sld [smem:$0x3F9F]  }
0x30: {  	s3 =	sld [smem:$0x3FA2]  }
0x31: {  	[smem:$0x3FAB] =	sst s10  }
0x32: {  	s10 =	sld [smem:$0x3FA9];
	_ =	sdelay $0x3  }
0x33: {  	p0 =	seq.s32 s10, $0x1;
	s10 =	sld [smem:$0x3FAB];
	_ =	sdelay $0x3  }
0x34: {  	[smem:$0x3FAB] =	sst s10  }
0x35: {  	s10 =	sld [smem:$0x3FAA];
	_ =	sdelay $0x3  }
0x36: {  	p1 =	seq.s32 s10, $0x1;
	s10 =	sld [smem:$0x3FAB];
	_ =	sdelay $0x3  }
0x37: {  	[smem:$0x3FAB] =	sst s10  }
0x38: {  	s10 =	sld [smem:$0x3FAC]  }
0x39: {  	_ = 	snop;
	(pc) =	sbr.ind lr, $3  }
0x3a: {  	_ = 	snop  }
0x3b: {  	_ = 	snop  }
0x3c: {  	p2 =	seq.s32 s10, $0x1;
	s10 =	sld [smem:$0x3FAB]  }
0x3d: {  	_ =	shalt  }
0x3e: {  	_ =	shalt  }
0x3f: {  	_ =	shalt  }
0x40: {  	_ =	shalt  }
0x41: {  	_ =	shalt  }
0x42: {  	_ =	shalt  }
0x43: {  	_ =	shalt  }
0x44: {  	_ =	shalt  }
0x45: {  	_ =	shalt  }
0x46: {  	_ =	shalt  }
0x47: {  	_ =	shalt  }
0x48: {  	_ =	shalt  }
0x49: {  	_ =	shalt  }
0x4a: {  	_ =	shalt  }
0x4b: {  	_ =	shalt  }
0x4c: {  	_ =	shalt  }
0x4d: {  	_ =	shalt  }
0x4e: {  	_ =	shalt  }
0x4f: {  	_ =	shalt  }
0x50: {  	_ =	shalt  }
0x51: {  	_ =	shalt  }
0x52: {  	_ =	shalt  }
0x53: {  	_ =	shalt  }
0x54: {  	_ =	shalt  }
0x55: {  	_ =	shalt  }
0x56: {  	_ =	shalt  }
0x57: {  	_ =	shalt  }
0x58: {  	_ =	shalt  }
0x59: {  	_ =	shalt  }
0x5a: {  	_ =	shalt  }
0x5b: {  	_ =	shalt  }
0x5c: {  	_ =	shalt  }
0x5d: {  	_ =	shalt  }
0x5e: {  	_ =	shalt  }
0x5f: {  	_ =	shalt  }
0x60: {  	_ =	shalt  }
0x61: {  	_ =	shalt  }
0x62: {  	_ =	shalt  }
0x63: {  	_ =	shalt  }
0x64: {  	_ =	shalt  }
0x65: {  	_ =	shalt  }
0x66: {  	_ =	shalt  }
0x67: {  	_ =	shalt  }
0x68: {  	_ =	shalt  }
0x69: {  	_ =	shalt  }
0x6a: {  	_ =	shalt  }
0x6b: {  	_ =	shalt  }
0x6c: {  	_ =	shalt  }
0x6d: {  	_ =	shalt  }
0x6e: {  	_ =	shalt  }
0x6f: {  	_ =	shalt  }
0x70: {  	_ =	shalt  }
0x71: {  	_ =	shalt  }
0x72: {  	_ =	shalt  }
0x73: {  	_ =	shalt  }
0x74: {  	_ =	shalt  }
0x75: {  	_ =	shalt  }
0x76: {  	_ =	shalt  }
0x77: {  	_ =	shalt  }
0x78: {  	_ =	shalt  }
0x79: {  	_ =	shalt  }
0x7a: {  	_ =	shalt  }
0x7b: {  	_ =	shalt  }
0x7c: {  	_ =	shalt  }
0x7d: {  	_ =	shalt  }
0x7e: {  	_ =	shalt  }
0x7f: {  	_ =	shalt  }
0x80: {  	_ =	shalt  }
0x81: {  	_ =	shalt  }
0x82: {  	_ =	shalt  }
0x83: {  	_ =	shalt  }
0x84: {  	_ =	shalt  }
0x85: {  	_ =	shalt  }
0x86: {  	_ =	shalt  }
0x87: {  	_ =	shalt  }
.Lfunc_end0:
.L_simem_size_0:
called_computation.1_lowered:
.L_overlay_start_0:
0x88: {  	s2 =	sld [smem:$0x3FD9]  }
0x89: {  	s3 =	sld [smem:$0x3FFE];
	_ =	sdelay $0x1  }
0x8a: {  	s1 =	srdreg.scid  }
0x8b: {  	s0 =	sand.u32 $0x1, s1  }
0x8c: {  	s17 =	sshll.u32 s0, $0xA;
	s2 =	sadd.s32 s3, s2  }
0x8d: {  	s2 =	sadd.s32 s2, s17  }
0x8e: {  	[smem:$0x3FB7] =	sst s2  }
0x8f: {  	_ = 	snop  }
0x90: {  	(tm) =	ssettm $0x1  }
0x91: {  	s18 =	sld [smem:$0x3FFB];
	_ =	sdelay $0x3  }
0x92: {  	_ =	strace s18  }
0x93: {  	s2 =	sld [smem:$0x3FFC];
	_ =	sdelay $0x3  }
0x94: {  	_ =	strace s2  }
0x95: {  	s2 =	sld [smem:$0x3FFD];
	_ =	sdelay $0x3  }
0x96: {  	_ =	strace s2  }
0x97: {  	_ =	strace $0x8FFFFFFF  }
0x98: {  	s19 =	sld [smem:$0x3FDB];
	_ =	sdelay $0x1  }
0x99: {  	s20 =	simm.s32 $_scs_section_size  }
0x9a: {  	s4 =	simm.s32 $_size__tile_overlayer_lowered;
	s5 =	simm.s32 $_tile_overlayer_lowered  }
0x9b: {  	s6 =	simm.s32 $0x1BFF;
	s21 =	sshll.u32 s5, $0x1;
	s3 =	sadd.s32 s20, s19  }
0x9c: {  	s22 =	simm.s32 $0x0;
	s4 =	sshll.u32 s4, $0x1;
	s5 =	sadd.s32 s21, s3  }
0x9d: {  	[timem:s22], [sflag:s6] =	dma.local [hbm:s5], s4  }
0x9e: {  	_ =	swait.ge [sflag:s6], s4  }
0x9f: {  	s4 =	ssub.s32 $0x0, s4;
	[sflag:s6] =	ssyncset.done $0x0  }
0xa0: {  	[sflag:s6] =	ssyncadd.s32 s4;
	_ =	sdelay $0x1  }
0xa1: {  	s23 =	simm.s32 $0x1B8B  }
0xa2: {  	_ =	swait.ge [sflag:s23], $0x1  }
0xa3: {  	[sflag:s23] =	ssyncset.done $0x0  }
0xa4: {  	[sflag:s23] =	ssyncadd.s32 $0xFFFFFFFF  }
0xa5: {  	s4 =	sld [smem:$0x0]  }
0xa6: {  	s5 =	sand.u32 $0xFFFFFFFE, s1  }
0xa7: {  	p0 =	sne.s32 s1, s5  }
0xa8: {  	s5 =	sshll.u32 @p0 s5, $0xE  }
0xa9: {  	s5 =	sadd.s32 @p0 $0x11B8D, s5;
	s6 =	sshll.u32 @p0 s4, $0x11  }
0xaa: {  	s5 =	sor.u32 @p0 s6, s5  }
0xab: {  	[sflag:s5] =	ssyncadd.remote.s32 @p0 $0x1;
	_ =	sdelay $0x1  }
0xac: {  	s5 =	simm.s32 @p0 $0x1B8D  }
0xad: {  	_ =	swait.eq @p0 [sflag:s5], $0x1  }
0xae: {  	[sflag:s5] =	ssyncadd.s32 @p0 $0xFFFFFFFF  }
0xaf: {  	s6 =	sshll.u32 @!p0 s1, $0xE  }
0xb0: {  	s6 =	sor.u32 @!p0 $0x4000, s6;
	s5 =	simm.s32 @!p0 $0x1B8D  }
0xb1: {  	s4 =	sshll.u32 @!p0 s4, $0x11;
	s6 =	sadd.s32 @!p0 $0x11B8D, s6;
	_ =	swait.eq @!p0 [sflag:s5], $0x1  }
0xb2: {  	s4 =	sor.u32 @!p0 s4, s6;
	[sflag:s5] =	ssyncadd.s32 @!p0 $0xFFFFFFFF  }
0xb3: {  	s25 =	simm.s32 $0x1B8E;
	s24 =	sld [smem:$0x3FFE];
	[sflag:s4] =	ssyncadd.remote.s32 @!p0 $0x1  }
0xb4: {  	s26 =	simm.s32 $execute0_lowered;
	[smem:$0x3FD2] =	sst s25  }
0xb5: {  	s5 =	sshll.u32 s26, $0x1;
	_ =	strace $0x80000049;
	[dreg:$0x1] =	wrdreg $0xFFFFFFFF  }
0xb6: {  	s28 =	simm.s32 $_size_execute0_lowered;
	s3 =	sadd.s32 s3, s5;
	[dreg:$0x0] =	wrdreg $0x0  }
0xb7: {  	s5 =	sshll.u32 s28, $0x1;
	[dreg:$0x2] =	wrdreg s3  }
0xb8: {  	[dreg:$0x3] =	wrdreg s5  }
0xb9: {  	[dreg:$0x4] =	wrdreg $0xC0  }
0xba: {  	_ =	task [dreg:s22], $0x5FFFF  }
0xbb: {  	[dreg:$0x1] =	wrdreg $0xFFFFFFFF  }
0xbc: {  	[dreg:$0x0] =	wrdreg $0x60  }
0xbd: {  	[dreg:$0x2] =	wrdreg s24  }
0xbe: {  	[dreg:$0x3] =	wrdreg $0x0  }
0xbf: {  	[dreg:$0x4] =	wrdreg $0xA  }
0xc0: {  	_ =	task.clear_ibuf [dreg:s22], $0x5FFFF;
	_ =	strace $0x90000049  }
0xc1: {  	s29 =	simm.s32 $0xA;
	_ =	strace $0x8000004B  }
0xc2: {  	_ =	swait.ge [sflag:s29], $0x1  }
0xc3: {  	[sflag:s29] =	ssyncadd.s32 $0xFFFFFFFF  }
0xc4: {  	_ =	strace $0x9000004B  }
0xc5: {  	_ =	sfence  }
0xc6: {  	s30 =	sld [smem:$0x0];
	_ =	sdelay $0x2  }
0xc7: {  	s31 =	sshll.u32 s1, $0xD;
	s1 =	sshrl.u32 s1, $0x2  }
0xc8: {  	s4 =	sand.u32 $0x4000, s31;
	s1 =	sadd.s32 s1, s30  }
0xc9: {  	s0 =	sor.u32 s4, s0;
	s1 =	sshll.u32 s1, $0x11  }
0xca: {  	s0 =	sor.u32 s1, s0  }
0xcb: {  	s0 =	sadd.s32 $0x8F2B, s0  }
0xcc: {  	[sflag:s0] =	ssyncadd.remote.s32 $0x1  }
0xcd: {  	_ =	sfence.sel $0xFFFF  }
0xce: {  	[dreg:$0x0] =	wrdreg $0xFFFFFFFF;
	(pc) =	sbr.abs _section_cstart, $3  }
0xcf: {  	[dreg:$0x1] =	wrdreg $0xFFFFFFFF  }
0xd0: {  	_ =	task.clear_ibuf [dreg:s22], $0x2FFFF;
	_ =	strace $0x9FFFFFFF  }
0xd1: {  	(tm) =	ssettm $0x7FFFFFFF  }
tec
execute0_lowered:
.L_overlay_start_1:
0x0: {  	(tag) =	ssettag $0x1  }
0x1: {  	s0 =	rddreg [dreg:$0x0]  }
0x2: {  	s1 =	srdreg.scid;
	s2 =	rddreg [dreg:$0x1]  }
0x3: {  	s3 =	stileid.u32;
	s30 =	rddreg [dreg:$0x2]  }
0x4: {  	s11 =	simm.s32 $0xA0;
	s13 =	simm.s32 $0xE680;
	s12 =	simm.s32 $0x13680  }
0x5: {  	s15 =	simm.s32 $0x3;
	s14 =	simm.s32 $0x4;
	s10 =	simm.s32 $0x7  }
0x6: {  	s9 =	simm.s32 $0x8;
	p1 =	por $0x0, $0x0;
	s16 =	simm.s32 $0x45A0  }
0x7: {  	s4 =	sand.u32 $0x1, s1;
	s5 =	sshll.u32 s3, $0x1;
	s1 =	simm.s32 $0x0  }
0x8: {  	s7 =	sadd.s32 $0x4000, s0;
	p0 =	sne.s32 s3, $0x0;
	s5 =	sor.u32 s4, s5  }
0x9: {  	s3 =	simm.s32 $0x5;
	[smem:$0x7FF] =	sst s1;
	s6 =	smul.u32 $0xC8, s5  }
0xa: {  	s4 =	ssub.s32 $0x2, s4;
	s28 =	sshrl.u32 @!p0 s2, $0x3;
	s8 =	smul.u32 $0x32000, s5  }
0xb: {  	_ =	strace $0x8000004A;
	[dreg:$0x3] =	wrdreg s7;
	s5 =	smul.u32 $0x6400, s5  }
0xc: {  	s26 =	sshrl.u32 s4, $0x1;
	s7 =	simm.s32 $0x2;
	s6 =	sadd.s32 s6, s0  }
0xd: {  	s0 =	sadd.s32 $0xD4000, s0;
	s17 =	sshrl.u32 s8, $0x3;
	s6 =	sadd.s32 $0x2600, s6  }
0xe: {  	s5 =	sadd.s32 s0, s5;
	s0 =	sadd.s32 s0, s17;
	[dreg:$0x4] =	wrdreg s6  }
0xf: {  	s4 =	ssub.s32 s4, s26;
	[dreg:$0x5] =	wrdreg s5;
	s18 =	sadd.s32 $0xA00, s0  }
0x10: {  	s26 =	simm.s32 $0x4140;
	s19 =	sadd.s32 $0x1400, s0;
	[dreg:$0x6] =	wrdreg s18  }
0x11: {  	s29 =	smax.u32 s4, $0x1;
	s20 =	sadd.s32 $0x1E00, s0;
	[dreg:$0x7] =	wrdreg s19  }
0x12: {  	s8 =	simm.s32 $0x1;
	s21 =	sadd.s32 $0x2800, s0;
	[dreg:$0x8] =	wrdreg s20  }
0x13: {  	s4 =	simm.s32 $0x6;
	s22 =	sadd.s32 $0x3200, s0;
	[dreg:$0x9] =	wrdreg s21  }
0x14: {  	s31 =	sadd.s32 $0xFFFFFFFF, s29;
	s23 =	sadd.s32 $0x3C00, s0;
	[dreg:$0xa] =	wrdreg s22  }
0x15: {  	s17 =	simm.s32 $0x4500;
	s24 =	sadd.s32 $0x4600, s0;
	[dreg:$0xb] =	wrdreg s23  }
0x16: {  	s25 =	sadd.s32 $0x5000, s0;
	p2 =	sne.s32 s31, $0x0;
	[dreg:$0xc] =	wrdreg s24  }
.Ltmp0:
0x17: {  	s0 =	sadd.s32 $0x5A00, s0;
	[dreg:$0xd] =	wrdreg s25;
	(pc) =	sbr.rel @!p2 .LBB2_5-.Ltmp0, $4  }
0x18: {  	s6 =	simm.s32 $0x4680;
	s5 =	simm.s32 $0x9680;
	[dreg:$0xe] =	wrdreg s0  }
0x19: {  	s22 =	simm.s32 $0x4000;
	s24 =	simm.s32 $0x9;
	s25 =	simm.s32 $0x40A0  }
0x1a: {  	s23 =	simm.s32 $0x41E0;
	s21 =	simm.s32 $0x4280;
	s20 =	simm.s32 $0x4320  }
0x1b: {  	s19 =	simm.s32 $0x43C0;
	s18 =	simm.s32 $0x4460;
	s0 =	rddreg [dreg:$0x3]  }
0x1c: {  	s29 =	simm.s32 @!p0 $0x1C09;
	s30 =	simm.s32 @!p0 $0x9  }
0x1d: {  	[spmem:s28], [sflag:s29] =	dma.local @!p0 [hbm:s0], $0x8000  }
0x1e: {  	_ =	swait.ge @!p0 [sflag:s30], $0x8000  }
0x1f: {  	[sflag:s30] =	ssyncset.done @!p0 $0x0  }
0x20: {  	[sflag:s30] =	ssyncadd.s32 @!p0 $0xFFFF8000  }
0x21: {  	[bflag:$0x0] =	sbarrier.arrive $0xFFFF  }
0x22: {  	s0 =	rddreg [dreg:$0x4]  }
0x23: {  	[tilespmem:s22], [sflag:$0x9] =	stream.linear.gather [hbm4b:s0+s1], $0x640, $0x38;
	[tilespmem:$0x18680] =	vst v63  }
0x24: {  	_ =	swait.ge [sflag:s24], $0x640  }
0x25: {  	[sflag:s24] =	ssyncset.done $0x0  }
0x26: {  	[sflag:s24] =	ssyncadd.s32 $0xFFFFF9C0  }
0x27: {  	[tilespmem:s6], [sflag:$0x1] =	stream.indirect.gather [spmem:s2], $0x80, s22, s11, $0xb8;
	[tilespmem:$0x18680] =	vst v63  }
0x28: {  	_ = 	snop  }
0x29: {  	[tilespmem:s5], [sflag:$0x2] =	stream.indirect.gather [spmem:s2], $0x80, s25, s11, $0xb8;
	[tilespmem:$0x18680] =	vst v63  }
0x2a: {  	_ = 	snop  }
0x2b: {  	[tilespmem:s13], [sflag:$0x3] =	stream.indirect.gather [spmem:s2], $0x80, s26, s11, $0xb8;
	[tilespmem:$0x18680] =	vst v63  }
0x2c: {  	_ =	swait.ge [sflag:s8], $0x5000  }
0x2d: {  	[sflag:s8] =	ssyncset.done $0x0  }
0x2e: {  	s0 =	rddreg [dreg:$0x5];
	[sflag:s8] =	ssyncadd.s32 $0xFFFFB000  }
0x2f: {  	[hbm4b:s0+s1] =	stream.linear.scatter [tilespmem:s6], [sflag:$0x5], $0x5000, $0x38;
	[tilespmem:$0x18680] =	vst v63  }
0x30: {  	_ = 	snop  }
0x31: {  	[tilespmem:s12], [sflag:$0x4] =	stream.indirect.gather [spmem:s2], $0x80, s23, s11, $0xb8;
	[tilespmem:$0x18680] =	vst v63  }
0x32: {  	_ =	swait.ge [sflag:s7], $0x5000  }
0x33: {  	[sflag:s7] =	ssyncset.done $0x0  }
0x34: {  	s0 =	rddreg [dreg:$0x6];
	[sflag:s7] =	ssyncadd.s32 $0xFFFFB000  }
0x35: {  	[hbm4b:s0+s1] =	stream.linear.scatter [tilespmem:s5], [sflag:$0x6], $0x5000, $0x38;
	[tilespmem:$0x18680] =	vst v63  }
0x36: {  	_ =	swait.ge [sflag:s3], $0x5000  }
0x37: {  	[sflag:s3] =	ssyncset.done $0x0  }
0x38: {  	[sflag:s3] =	ssyncadd.s32 $0xFFFFB000  }
0x39: {  	[tilespmem:s6], [sflag:$0x1] =	stream.indirect.gather [spmem:s2], $0x80, s21, s11, $0xb8;
	[tilespmem:$0x18680] =	vst v63  }
0x3a: {  	_ =	swait.ge [sflag:s15], $0x5000  }
0x3b: {  	[sflag:s15] =	ssyncset.done $0x0  }
0x3c: {  	s0 =	rddreg [dreg:$0x7];
	[sflag:s15] =	ssyncadd.s32 $0xFFFFB000  }
0x3d: {  	[hbm4b:s0+s1] =	stream.linear.scatter [tilespmem:s13], [sflag:$0x7], $0x5000, $0x38;
	[tilespmem:$0x18680] =	vst v63  }
0x3e: {  	_ =	swait.ge [sflag:s4], $0x5000  }
0x3f: {  	[sflag:s4] =	ssyncset.done $0x0  }
0x40: {  	[sflag:s4] =	ssyncadd.s32 $0xFFFFB000  }
0x41: {  	[tilespmem:s5], [sflag:$0x2] =	stream.indirect.gather [spmem:s2], $0x80, s20, s11, $0xb8;
	[tilespmem:$0x18680] =	vst v63  }
0x42: {  	_ =	swait.ge [sflag:s14], $0x5000  }
0x43: {  	[sflag:s14] =	ssyncset.done $0x0  }
0x44: {  	s0 =	rddreg [dreg:$0x8];
	[sflag:s14] =	ssyncadd.s32 $0xFFFFB000  }
0x45: {  	[hbm4b:s0+s1] =	stream.linear.scatter [tilespmem:s12], [sflag:$0x8], $0x5000, $0x38;
	[tilespmem:$0x18680] =	vst v63  }
0x46: {  	_ =	swait.ge [sflag:s10], $0x5000  }
0x47: {  	[sflag:s10] =	ssyncset.done $0x0  }
0x48: {  	[sflag:s10] =	ssyncadd.s32 $0xFFFFB000  }
0x49: {  	[tilespmem:s13], [sflag:$0x3] =	stream.indirect.gather [spmem:s2], $0x80, s19, s11, $0xb8;
	[tilespmem:$0x18680] =	vst v63  }
0x4a: {  	_ =	swait.ge [sflag:s8], $0x5000  }
0x4b: {  	[sflag:s8] =	ssyncset.done $0x0  }
0x4c: {  	s0 =	rddreg [dreg:$0x9];
	[sflag:s8] =	ssyncadd.s32 $0xFFFFB000  }
0x4d: {  	[hbm4b:s0+s1] =	stream.linear.scatter [tilespmem:s6], [sflag:$0x5], $0x5000, $0x38;
	[tilespmem:$0x18680] =	vst v63  }
0x4e: {  	_ =	swait.ge [sflag:s9], $0x5000  }
0x4f: {  	[sflag:s9] =	ssyncset.done $0x0  }
0x50: {  	[sflag:s9] =	ssyncadd.s32 $0xFFFFB000  }
0x51: {  	[tilespmem:s12], [sflag:$0x4] =	stream.indirect.gather [spmem:s2], $0x80, s18, s11, $0xb8;
	[tilespmem:$0x18680] =	vst v63  }
0x52: {  	_ =	swait.ge [sflag:s7], $0x5000  }
0x53: {  	[sflag:s7] =	ssyncset.done $0x0  }
0x54: {  	s0 =	rddreg [dreg:$0xa];
	[sflag:s7] =	ssyncadd.s32 $0xFFFFB000  }
0x55: {  	[hbm4b:s0+s1] =	stream.linear.scatter [tilespmem:s5], [sflag:$0x6], $0x5000, $0x38;
	[tilespmem:$0x18680] =	vst v63  }
0x56: {  	_ =	swait.ge [sflag:s3], $0x5000  }
0x57: {  	[sflag:s3] =	ssyncset.done $0x0  }
0x58: {  	[sflag:s3] =	ssyncadd.s32 $0xFFFFB000  }
0x59: {  	[tilespmem:s6], [sflag:$0x1] =	stream.indirect.gather [spmem:s2], $0x80, s17, s11, $0xb8;
	[tilespmem:$0x18680] =	vst v63  }
0x5a: {  	_ =	swait.ge [sflag:s15], $0x5000  }
0x5b: {  	[sflag:s15] =	ssyncset.done $0x0  }
0x5c: {  	s0 =	rddreg [dreg:$0xb];
	[sflag:s15] =	ssyncadd.s32 $0xFFFFB000  }
0x5d: {  	[hbm4b:s0+s1] =	stream.linear.scatter [tilespmem:s13], [sflag:$0x7], $0x5000, $0x38;
	[tilespmem:$0x18680] =	vst v63  }
0x5e: {  	_ =	swait.ge [sflag:s4], $0x5000  }
0x5f: {  	[sflag:s4] =	ssyncset.done $0x0  }
0x60: {  	[sflag:s4] =	ssyncadd.s32 $0xFFFFB000  }
0x61: {  	[tilespmem:s5], [sflag:$0x2] =	stream.indirect.gather [spmem:s2], $0x80, s16, s11, $0xb8;
	[tilespmem:$0x18680] =	vst v63  }
0x62: {  	_ =	swait.ge [sflag:s14], $0x5000  }
0x63: {  	[sflag:s14] =	ssyncset.done $0x0  }
0x64: {  	s0 =	rddreg [dreg:$0xc];
	[sflag:s14] =	ssyncadd.s32 $0xFFFFB000  }
0x65: {  	[hbm4b:s0+s1] =	stream.linear.scatter [tilespmem:s12], [sflag:$0x8], $0x5000, $0x38;
	[tilespmem:$0x18680] =	vst v63  }
0x66: {  	_ =	swait.ge [sflag:s8], $0x5000  }
0x67: {  	[sflag:s8] =	ssyncset.done $0x0  }
0x68: {  	s0 =	rddreg [dreg:$0xd];
	[sflag:s8] =	ssyncadd.s32 $0xFFFFB000  }
0x69: {  	[hbm4b:s0+s1] =	stream.linear.scatter [tilespmem:s6], [sflag:$0x5], $0x5000, $0x38;
	[tilespmem:$0x18680] =	vst v63  }
0x6a: {  	_ =	swait.ge [sflag:s7], $0x5000  }
0x6b: {  	[sflag:s7] =	ssyncset.done $0x0  }
0x6c: {  	s0 =	rddreg [dreg:$0xe];
	[sflag:s7] =	ssyncadd.s32 $0xFFFFB000  }
0x6d: {  	[hbm4b:s0+s1] =	stream.linear.scatter [tilespmem:s5], [sflag:$0x6], $0x5000, $0x38;
	[tilespmem:$0x18680] =	vst v63  }
0x6e: {  	_ =	swait.ge [sflag:s10], $0x5000  }
0x6f: {  	[sflag:s10] =	ssyncset.done $0x0  }
0x70: {  	[sflag:s10] =	ssyncadd.s32 $0xFFFFB000  }
0x71: {  	_ =	swait.ge [sflag:s9], $0x5000  }
0x72: {  	s31 =	sadd.s32 $0xFFFFFFFF, s31;
	[sflag:s9] =	ssyncset.done $0x0  }
0x73: {  	p2 =	sne.s32 s31, $0x0;
	[sflag:s9] =	ssyncadd.s32 $0xFFFFB000  }
.Ltmp1:
0x74: {  	_ =	swait.ge [sflag:s3], $0x5000;
	(pc) =	sbr.rel @!p2 .LBB2_2-.Ltmp1, $4  }
0x75: {  	[sflag:s3] =	ssyncset.done $0x0  }
0x76: {  	[sflag:s3] =	ssyncadd.s32 $0xFFFFB000  }
0x77: {  	_ =	swait.ge [sflag:s4], $0x5000  }
0x78: {  	p1 =	por $0x1, $0x1;
	s0 =	rddreg [dreg:$0x3];
	[sflag:s4] =	ssyncset.done $0x0  }
.LBB2_3:
0x79: {  	[sflag:s4] =	ssyncadd.s32 $0xFFFFB000  }
0x7a: {  	[spmem:s28], [sflag:s29] =	dma.local @!p0 [hbm:s0], $0x8000  }
0x7b: {  	_ =	swait.ge @!p0 [sflag:s30], $0x8000  }
0x7c: {  	[sflag:s30] =	ssyncset.done @!p0 $0x0  }
0x7d: {  	[sflag:s30] =	ssyncadd.s32 @!p0 $0xFFFF8000  }
0x7e: {  	[bflag:$0x0] =	sbarrier.arrive $0xFFFF  }
0x7f: {  	s0 =	rddreg [dreg:$0x4]  }
0x80: {  	[tilespmem:s22], [sflag:$0x9] =	stream.linear.gather [hbm4b:s0+s1], $0x640, $0x38;
	[tilespmem:$0x18680] =	vst v63  }
0x81: {  	_ =	swait.ge [sflag:s24], $0x640  }
0x82: {  	[sflag:s24] =	ssyncset.done $0x0  }
0x83: {  	[sflag:s24] =	ssyncadd.s32 $0xFFFFF9C0  }
0x84: {  	[tilespmem:s6], [sflag:$0x1] =	stream.indirect.gather [spmem:s2], $0x80, s22, s11, $0xb8;
	[tilespmem:$0x18680] =	vst v63  }
0x85: {  	_ = 	snop  }
0x86: {  	[tilespmem:s5], [sflag:$0x2] =	stream.indirect.gather [spmem:s2], $0x80, s25, s11, $0xb8;
	[tilespmem:$0x18680] =	vst v63  }
0x87: {  	_ = 	snop  }
0x88: {  	[tilespmem:s13], [sflag:$0x3] =	stream.indirect.gather [spmem:s2], $0x80, s26, s11, $0xb8;
	[tilespmem:$0x18680] =	vst v63  }
0x89: {  	_ =	swait.ge [sflag:s8], $0x5000  }
0x8a: {  	[sflag:s8] =	ssyncset.done $0x0  }
0x8b: {  	s0 =	rddreg [dreg:$0x5];
	[sflag:s8] =	ssyncadd.s32 $0xFFFFB000  }
0x8c: {  	[hbm4b:s0+s1] =	stream.linear.scatter [tilespmem:s6], [sflag:$0x5], $0x5000, $0x38;
	[tilespmem:$0x18680] =	vst v63  }
0x8d: {  	_ = 	snop  }
0x8e: {  	[tilespmem:s12], [sflag:$0x4] =	stream.indirect.gather [spmem:s2], $0x80, s23, s11, $0xb8;
	[tilespmem:$0x18680] =	vst v63  }
0x8f: {  	_ =	swait.ge [sflag:s7], $0x5000  }
0x90: {  	[sflag:s7] =	ssyncset.done $0x0  }
0x91: {  	s0 =	rddreg [dreg:$0x6];
	[sflag:s7] =	ssyncadd.s32 $0xFFFFB000  }
0x92: {  	[hbm4b:s0+s1] =	stream.linear.scatter [tilespmem:s5], [sflag:$0x6], $0x5000, $0x38;
	[tilespmem:$0x18680] =	vst v63  }
0x93: {  	_ =	swait.ge [sflag:s3], $0x5000  }
0x94: {  	[sflag:s3] =	ssyncset.done $0x0  }
0x95: {  	[sflag:s3] =	ssyncadd.s32 $0xFFFFB000  }
0x96: {  	[tilespmem:s6], [sflag:$0x1] =	stream.indirect.gather [spmem:s2], $0x80, s21, s11, $0xb8;
	[tilespmem:$0x18680] =	vst v63  }
0x97: {  	_ =	swait.ge [sflag:s15], $0x5000  }
0x98: {  	[sflag:s15] =	ssyncset.done $0x0  }
0x99: {  	s0 =	rddreg [dreg:$0x7];
	[sflag:s15] =	ssyncadd.s32 $0xFFFFB000  }
0x9a: {  	[hbm4b:s0+s1] =	stream.linear.scatter [tilespmem:s13], [sflag:$0x7], $0x5000, $0x38;
	[tilespmem:$0x18680] =	vst v63  }
0x9b: {  	_ =	swait.ge [sflag:s4], $0x5000  }
0x9c: {  	[sflag:s4] =	ssyncset.done $0x0  }
0x9d: {  	[sflag:s4] =	ssyncadd.s32 $0xFFFFB000  }
0x9e: {  	[tilespmem:s5], [sflag:$0x2] =	stream.indirect.gather [spmem:s2], $0x80, s20, s11, $0xb8;
	[tilespmem:$0x18680] =	vst v63  }
0x9f: {  	_ =	swait.ge [sflag:s14], $0x5000  }
0xa0: {  	[sflag:s14] =	ssyncset.done $0x0  }
0xa1: {  	s0 =	rddreg [dreg:$0x8];
	[sflag:s14] =	ssyncadd.s32 $0xFFFFB000  }
0xa2: {  	[hbm4b:s0+s1] =	stream.linear.scatter [tilespmem:s12], [sflag:$0x8], $0x5000, $0x38;
	[tilespmem:$0x18680] =	vst v63  }
0xa3: {  	_ =	swait.ge [sflag:s10], $0x5000  }
0xa4: {  	[sflag:s10] =	ssyncset.done $0x0  }
0xa5: {  	[sflag:s10] =	ssyncadd.s32 $0xFFFFB000  }
0xa6: {  	[tilespmem:s13], [sflag:$0x3] =	stream.indirect.gather [spmem:s2], $0x80, s19, s11, $0xb8;
	[tilespmem:$0x18680] =	vst v63  }
0xa7: {  	_ =	swait.ge [sflag:s8], $0x5000  }
0xa8: {  	[sflag:s8] =	ssyncset.done $0x0  }
0xa9: {  	s0 =	rddreg [dreg:$0x9];
	[sflag:s8] =	ssyncadd.s32 $0xFFFFB000  }
0xaa: {  	[hbm4b:s0+s1] =	stream.linear.scatter [tilespmem:s6], [sflag:$0x5], $0x5000, $0x38;
	[tilespmem:$0x18680] =	vst v63  }
0xab: {  	_ =	swait.ge [sflag:s9], $0x5000  }
0xac: {  	[sflag:s9] =	ssyncset.done $0x0  }
0xad: {  	[sflag:s9] =	ssyncadd.s32 $0xFFFFB000  }
0xae: {  	[tilespmem:s12], [sflag:$0x4] =	stream.indirect.gather [spmem:s2], $0x80, s18, s11, $0xb8;
	[tilespmem:$0x18680] =	vst v63  }
0xaf: {  	_ =	swait.ge [sflag:s7], $0x5000  }
0xb0: {  	[sflag:s7] =	ssyncset.done $0x0  }
0xb1: {  	s0 =	rddreg [dreg:$0xa];
	[sflag:s7] =	ssyncadd.s32 $0xFFFFB000  }
0xb2: {  	[hbm4b:s0+s1] =	stream.linear.scatter [tilespmem:s5], [sflag:$0x6], $0x5000, $0x38;
	[tilespmem:$0x18680] =	vst v63  }
0xb3: {  	_ =	swait.ge [sflag:s3], $0x5000  }
0xb4: {  	[sflag:s3] =	ssyncset.done $0x0  }
0xb5: {  	[sflag:s3] =	ssyncadd.s32 $0xFFFFB000  }
0xb6: {  	[tilespmem:s6], [sflag:$0x1] =	stream.indirect.gather [spmem:s2], $0x80, s17, s11, $0xb8;
	[tilespmem:$0x18680] =	vst v63  }
0xb7: {  	_ =	swait.ge [sflag:s15], $0x5000  }
0xb8: {  	[sflag:s15] =	ssyncset.done $0x0  }
0xb9: {  	s0 =	rddreg [dreg:$0xb];
	[sflag:s15] =	ssyncadd.s32 $0xFFFFB000  }
0xba: {  	[hbm4b:s0+s1] =	stream.linear.scatter [tilespmem:s13], [sflag:$0x7], $0x5000, $0x38;
	[tilespmem:$0x18680] =	vst v63  }
0xbb: {  	_ =	swait.ge [sflag:s4], $0x5000  }
0xbc: {  	[sflag:s4] =	ssyncset.done $0x0  }
0xbd: {  	[sflag:s4] =	ssyncadd.s32 $0xFFFFB000  }
0xbe: {  	[tilespmem:s5], [sflag:$0x2] =	stream.indirect.gather [spmem:s2], $0x80, s16, s11, $0xb8;
	[tilespmem:$0x18680] =	vst v63  }
0xbf: {  	_ =	swait.ge [sflag:s14], $0x5000  }
0xc0: {  	[sflag:s14] =	ssyncset.done $0x0  }
0xc1: {  	s0 =	rddreg [dreg:$0xc];
	[sflag:s14] =	ssyncadd.s32 $0xFFFFB000  }
0xc2: {  	[hbm4b:s0+s1] =	stream.linear.scatter [tilespmem:s12], [sflag:$0x8], $0x5000, $0x38;
	[tilespmem:$0x18680] =	vst v63  }
0xc3: {  	_ =	swait.ge [sflag:s8], $0x5000  }
0xc4: {  	[sflag:s8] =	ssyncset.done $0x0  }
0xc5: {  	s0 =	rddreg [dreg:$0xd];
	[sflag:s8] =	ssyncadd.s32 $0xFFFFB000  }
0xc6: {  	[hbm4b:s0+s1] =	stream.linear.scatter [tilespmem:s6], [sflag:$0x5], $0x5000, $0x38;
	[tilespmem:$0x18680] =	vst v63  }
0xc7: {  	_ =	swait.ge [sflag:s7], $0x5000  }
0xc8: {  	[sflag:s7] =	ssyncset.done $0x0  }
0xc9: {  	s0 =	rddreg [dreg:$0xe];
	[sflag:s7] =	ssyncadd.s32 $0xFFFFB000  }
0xca: {  	[hbm4b:s0+s1] =	stream.linear.scatter [tilespmem:s5], [sflag:$0x6], $0x5000, $0x38;
	[tilespmem:$0x18680] =	vst v63  }
0xcb: {  	_ =	swait.ge [sflag:s10], $0x5000  }
0xcc: {  	[sflag:s10] =	ssyncset.done $0x0  }
0xcd: {  	[sflag:s10] =	ssyncadd.s32 $0xFFFFB000  }
0xce: {  	_ =	swait.ge [sflag:s9], $0x5000  }
0xcf: {  	s31 =	sadd.s32 $0xFFFFFFFF, s31;
	[sflag:s9] =	ssyncset.done $0x0  }
0xd0: {  	p2 =	sne.s32 s31, $0x0;
	[sflag:s9] =	ssyncadd.s32 $0xFFFFB000  }
.Ltmp2:
0xd1: {  	_ =	swait.ge [sflag:s3], $0x5000;
	(pc) =	sbr.rel @p2 .LBB2_3-.Ltmp2, $4  }
0xd2: {  	[sflag:s3] =	ssyncset.done $0x0  }
0xd3: {  	[sflag:s3] =	ssyncadd.s32 $0xFFFFB000  }
0xd4: {  	_ =	swait.ge [sflag:s4], $0x5000  }
0xd5: {  	s0 =	rddreg [dreg:$0x3];
	[sflag:s4] =	ssyncset.done $0x0  }
0xd6: {  	s30 =	rddreg [dreg:$0x2]  }
.LBB2_5:
0xd7: {  	[sflag:s4] =	ssyncadd.s32 @p1 $0xFFFFB000;
	s29 =	simm.s32 @!p0 $0x1C09  }
0xd8: {  	[spmem:s28], [sflag:s29] =	dma.local @!p0 [hbm:s0], $0x8000  }
0xd9: {  	s0 =	simm.s32 @!p0 $0x9  }
0xda: {  	_ =	swait.ge @!p0 [sflag:s0], $0x8000  }
0xdb: {  	[sflag:s0] =	ssyncset.done @!p0 $0x0  }
0xdc: {  	[sflag:s0] =	ssyncadd.s32 @!p0 $0xFFFF8000  }
0xdd: {  	[bflag:$0x0] =	sbarrier.arrive $0xFFFF  }
0xde: {  	s28 =	rddreg [dreg:$0x4]  }
0xdf: {  	[tilespmem:s22], [sflag:$0x9] =	stream.linear.gather [hbm4b:s28+s1], $0x640, $0x38;
	[tilespmem:$0x18680] =	vst v63  }
0xe0: {  	_ =	swait.ge [sflag:s24], $0x640  }
0xe1: {  	[sflag:s24] =	ssyncset.done $0x0  }
0xe2: {  	[sflag:s24] =	ssyncadd.s32 $0xFFFFF9C0  }
0xe3: {  	[tilespmem:s6], [sflag:$0x1] =	stream.indirect.gather [spmem:s2], $0x80, s22, s11, $0xb8;
	[tilespmem:$0x18680] =	vst v63  }
0xe4: {  	_ = 	snop  }
0xe5: {  	[tilespmem:s5], [sflag:$0x2] =	stream.indirect.gather [spmem:s2], $0x80, s25, s11, $0xb8;
	[tilespmem:$0x18680] =	vst v63  }
0xe6: {  	_ = 	snop  }
0xe7: {  	[tilespmem:s13], [sflag:$0x3] =	stream.indirect.gather [spmem:s2], $0x80, s26, s11, $0xb8;
	[tilespmem:$0x18680] =	vst v63  }
0xe8: {  	_ =	swait.ge [sflag:s8], $0x5000  }
0xe9: {  	[sflag:s8] =	ssyncset.done $0x0  }
0xea: {  	s29 =	rddreg [dreg:$0x5];
	[sflag:s8] =	ssyncadd.s32 $0xFFFFB000  }
0xeb: {  	[hbm4b:s29+s1] =	stream.linear.scatter [tilespmem:s6], [sflag:$0x5], $0x5000, $0x38;
	[tilespmem:$0x18680] =	vst v63  }
0xec: {  	_ = 	snop  }
0xed: {  	[tilespmem:s12], [sflag:$0x4] =	stream.indirect.gather [spmem:s2], $0x80, s23, s11, $0xb8;
	[tilespmem:$0x18680] =	vst v63  }
0xee: {  	_ =	swait.ge [sflag:s7], $0x5000  }
0xef: {  	[sflag:s7] =	ssyncset.done $0x0  }
0xf0: {  	s31 =	rddreg [dreg:$0x6];
	[sflag:s7] =	ssyncadd.s32 $0xFFFFB000  }
0xf1: {  	[hbm4b:s31+s1] =	stream.linear.scatter [tilespmem:s5], [sflag:$0x6], $0x5000, $0x38;
	[tilespmem:$0x18680] =	vst v63  }
0xf2: {  	_ =	swait.ge [sflag:s3], $0x5000  }
0xf3: {  	[sflag:s3] =	ssyncset.done $0x0  }
0xf4: {  	[sflag:s3] =	ssyncadd.s32 $0xFFFFB000  }
0xf5: {  	[tilespmem:s6], [sflag:$0x1] =	stream.indirect.gather [spmem:s2], $0x80, s21, s11, $0xb8;
	[tilespmem:$0x18680] =	vst v63  }
0xf6: {  	_ =	swait.ge [sflag:s15], $0x5000  }
0xf7: {  	[sflag:s15] =	ssyncset.done $0x0  }
0xf8: {  	s22 =	rddreg [dreg:$0x7];
	[sflag:s15] =	ssyncadd.s32 $0xFFFFB000  }
0xf9: {  	[hbm4b:s22+s1] =	stream.linear.scatter [tilespmem:s13], [sflag:$0x7], $0x5000, $0x38;
	[tilespmem:$0x18680] =	vst v63  }
0xfa: {  	_ =	swait.ge [sflag:s4], $0x5000  }
0xfb: {  	[sflag:s4] =	ssyncset.done $0x0  }
0xfc: {  	[sflag:s4] =	ssyncadd.s32 $0xFFFFB000  }
0xfd: {  	[tilespmem:s5], [sflag:$0x2] =	stream.indirect.gather [spmem:s2], $0x80, s20, s11, $0xb8;
	[tilespmem:$0x18680] =	vst v63  }
0xfe: {  	_ =	swait.ge [sflag:s14], $0x5000  }
0xff: {  	[sflag:s14] =	ssyncset.done $0x0  }
0x100: {  	s23 =	rddreg [dreg:$0x8];
	[sflag:s14] =	ssyncadd.s32 $0xFFFFB000  }
0x101: {  	[hbm4b:s23+s1] =	stream.linear.scatter [tilespmem:s12], [sflag:$0x8], $0x5000, $0x38;
	[tilespmem:$0x18680] =	vst v63  }
0x102: {  	_ =	swait.ge [sflag:s10], $0x5000  }
0x103: {  	[sflag:s10] =	ssyncset.done $0x0  }
0x104: {  	[sflag:s10] =	ssyncadd.s32 $0xFFFFB000  }
0x105: {  	[tilespmem:s13], [sflag:$0x3] =	stream.indirect.gather [spmem:s2], $0x80, s19, s11, $0xb8;
	[tilespmem:$0x18680] =	vst v63  }
0x106: {  	_ =	swait.ge [sflag:s8], $0x5000  }
0x107: {  	[sflag:s8] =	ssyncset.done $0x0  }
0x108: {  	s24 =	rddreg [dreg:$0x9];
	[sflag:s8] =	ssyncadd.s32 $0xFFFFB000  }
0x109: {  	[hbm4b:s24+s1] =	stream.linear.scatter [tilespmem:s6], [sflag:$0x5], $0x5000, $0x38;
	[tilespmem:$0x18680] =	vst v63  }
0x10a: {  	_ =	swait.ge [sflag:s9], $0x5000  }
0x10b: {  	[sflag:s9] =	ssyncset.done $0x0  }
0x10c: {  	[sflag:s9] =	ssyncadd.s32 $0xFFFFB000  }
0x10d: {  	[tilespmem:s12], [sflag:$0x4] =	stream.indirect.gather [spmem:s2], $0x80, s18, s11, $0xb8;
	[tilespmem:$0x18680] =	vst v63  }
0x10e: {  	_ =	swait.ge [sflag:s7], $0x5000  }
0x10f: {  	[sflag:s7] =	ssyncset.done $0x0  }
0x110: {  	s25 =	rddreg [dreg:$0xa];
	[sflag:s7] =	ssyncadd.s32 $0xFFFFB000  }
0x111: {  	[hbm4b:s25+s1] =	stream.linear.scatter [tilespmem:s5], [sflag:$0x6], $0x5000, $0x38;
	[tilespmem:$0x18680] =	vst v63  }
0x112: {  	_ =	swait.ge [sflag:s3], $0x5000  }
0x113: {  	[sflag:s3] =	ssyncset.done $0x0  }
0x114: {  	[sflag:s3] =	ssyncadd.s32 $0xFFFFB000  }
0x115: {  	[tilespmem:s6], [sflag:$0x1] =	stream.indirect.gather [spmem:s2], $0x80, s17, s11, $0xb8;
	[tilespmem:$0x18680] =	vst v63  }
0x116: {  	_ =	swait.ge [sflag:s15], $0x5000  }
0x117: {  	[sflag:s15] =	ssyncset.done $0x0  }
0x118: {  	s26 =	rddreg [dreg:$0xb];
	[sflag:s15] =	ssyncadd.s32 $0xFFFFB000  }
0x119: {  	[hbm4b:s26+s1] =	stream.linear.scatter [tilespmem:s13], [sflag:$0x7], $0x5000, $0x38;
	[tilespmem:$0x18680] =	vst v63  }
0x11a: {  	_ =	swait.ge [sflag:s4], $0x5000  }
0x11b: {  	[sflag:s4] =	ssyncset.done $0x0  }
0x11c: {  	[sflag:s4] =	ssyncadd.s32 $0xFFFFB000  }
0x11d: {  	[tilespmem:s5], [sflag:$0x2] =	stream.indirect.gather [spmem:s2], $0x80, s16, s11, $0xb8;
	[tilespmem:$0x18680] =	vst v63  }
0x11e: {  	_ =	swait.ge [sflag:s14], $0x5000  }
0x11f: {  	[sflag:s14] =	ssyncset.done $0x0  }
0x120: {  	s28 =	rddreg [dreg:$0xc];
	[sflag:s14] =	ssyncadd.s32 $0xFFFFB000  }
0x121: {  	[hbm4b:s28+s1] =	stream.linear.scatter [tilespmem:s12], [sflag:$0x8], $0x5000, $0x38;
	[tilespmem:$0x18680] =	vst v63  }
0x122: {  	_ =	swait.ge [sflag:s8], $0x5000  }
0x123: {  	[sflag:s8] =	ssyncset.done $0x0  }
0x124: {  	s29 =	rddreg [dreg:$0xd];
	[sflag:s8] =	ssyncadd.s32 $0xFFFFB000  }
0x125: {  	[hbm4b:s29+s1] =	stream.linear.scatter [tilespmem:s6], [sflag:$0x5], $0x5000, $0x38;
	[tilespmem:$0x18680] =	vst v63  }
0x126: {  	_ =	swait.ge [sflag:s7], $0x5000  }
0x127: {  	[sflag:s7] =	ssyncset.done $0x0  }
0x128: {  	s31 =	rddreg [dreg:$0xe];
	[sflag:s7] =	ssyncadd.s32 $0xFFFFB000  }
0x129: {  	[hbm4b:s31+s1] =	stream.linear.scatter [tilespmem:s5], [sflag:$0x6], $0x5000, $0x38;
	[tilespmem:$0x18680] =	vst v63  }
0x12a: {  	_ =	swait.ge [sflag:s10], $0x5000  }
0x12b: {  	[sflag:s10] =	ssyncset.done $0x0  }
0x12c: {  	[sflag:s10] =	ssyncadd.s32 $0xFFFFB000  }
0x12d: {  	_ =	swait.ge [sflag:s9], $0x5000  }
0x12e: {  	[sflag:s9] =	ssyncset.done $0x0  }
0x12f: {  	[sflag:s9] =	ssyncadd.s32 $0xFFFFB000  }
0x130: {  	_ =	swait.ge [sflag:s3], $0x5000  }
0x131: {  	[sflag:s3] =	ssyncset.done $0x0  }
0x132: {  	[sflag:s3] =	ssyncadd.s32 $0xFFFFB000  }
0x133: {  	_ =	swait.ge [sflag:s4], $0x5000  }
0x134: {  	[sflag:s4] =	ssyncset.done $0x0  }
0x135: {  	[sflag:s4] =	ssyncadd.s32 $0xFFFFB000  }
0x136: {  	_ =	sfence.sel $0x180000  }
0x137: {  	[bflag:$0x0] =	sbarrier.arrive $0xFFFF  }
0x138: {  	_ =	strace $0x9000004A  }
0x139: {  	s0 =	sadd.s32 @!p0 $0x100000, s30;
	[bflag:$0x2] =	sbarrier.arrive $0xFFFF  }
0x13a: {  	[sflag:s0] =	ssyncadd.tile.s32 @!p0 $0x1;
	_ =	shalt  }
.LBB2_2:
.Ltmp3:
0x13b: {  	(pc) =	sbr.rel .LBB2_5-.Ltmp3, $2  }
0x13c: {  	_ =	sdelay $0x2  }
0x13d: {  	s30 =	rddreg [dreg:$0x2]  }
.Lfunc_end2:
_tile_overlayer_lowered:
.L_overlay_start_2:
0x13e: {  	(tag) =	ssettag $0x2  }
0x13f: {  	s0 =	rddreg [dreg:$0x0];
	s2 =	stileid.u32  }
0x140: {  	s1 =	rddreg [dreg:$0x1];
	p0 =	sne.s32 s2, $0x0  }
0x141: {  	s3 =	rddreg [dreg:$0x2];
	[bflag:$0x3] =	sbarrier.arrive $0xFFFF;
	s2 =	simm.s32 @!p0 $0x1C09  }
0x142: {  	[timem:s3], [sflag:s2] =	dma.local @!p0 [hbm:s0], s1  }
0x143: {  	s0 =	simm.s32 @!p0 $0x9  }
0x144: {  	_ =	swait.ge @!p0 [sflag:s0], s1  }
0x145: {  	s1 =	ssub.s32 @!p0 $0x0, s1;
	[sflag:s0] =	ssyncset.done @!p0 $0x0  }
0x146: {  	[sflag:s0] =	ssyncadd.s32 @!p0 s1  }
0x147: {  	[bflag:$0x3] =	sbarrier.arrive $0xFFFF  }
0x148: {  	_ =	shalt  }

// kernel: kernel.8.cloned.1.call-start
scs
__scs_entry_jumppad:
0x0: {  	(pc) =	sbr.rel $0x88, $3  }
0x1: {  	(tag) =	ssettag $0x0;
	lr =	simm.s32 $0x1  }
0x2: {  	[smem:$0x3F90] =	sst lr;
	_ =	strace $0xD0000000  }
0x3: {  	_ = 	snop  }
0x4: {  	_ = 	snop  }
0x5: {  	_ = 	snop  }
0x6: {  	_ = 	snop  }
0x7: {  	_ = 	snop  }
__scs_overlays_trampoline_lowered:
0x8: {  	[smem:$0x3F9F] =	sst s0  }
0x9: {  	[smem:$0x3FA0] =	sst s1  }
0xa: {  	[smem:$0x3FA1] =	sst s2  }
0xb: {  	[smem:$0x3FA2] =	sst s3  }
0xc: {  	[smem:$0x3FA3] =	sst s4  }
0xd: {  	[smem:$0x3FA4] =	sst s5  }
0xe: {  	[smem:$0x3FA5] =	sst s6  }
0xf: {  	[smem:$0x3FA6] =	sst s7  }
0x10: {  	[smem:$0x3FA7] =	sst s8  }
0x11: {  	[smem:$0x3FA8] =	sst s9;
	s0 =	simm.s32 @!p0 $0x0  }
0x12: {  	s1 =	sld [smem:$0x3F8E];
	s0 =	simm.s32 @p0 $0x1  }
0x13: {  	[smem:$0x3FA9] =	sst s0;
	s0 =	simm.s32 @!p1 $0x0  }
0x14: {  	s2 =	sld [smem:$0x3F8D];
	s0 =	simm.s32 @p1 $0x1  }
0x15: {  	[smem:$0x3FAA] =	sst s0;
	s0 =	simm.s32 @!p2 $0x0  }
0x16: {  	s3 =	sld [smem:$0x3FDB];
	s0 =	simm.s32 @p2 $0x1  }
0x17: {  	s4 =	simm.s32 $0x1BF5;
	[smem:$0x3FAC] =	sst s0  }
0x18: {  	s0 =	sld [smem:$0x3F8F];
	_ =	swait.ge [sflag:s4], $0x0  }
0x19: {  	s7 =	sld [smem:$0x3F90]  }
0x1a: {  	s8 =	sadd.s32 $0xFFFFE003, lr  }
0x1b: {  	s9 =	sadd.s32 $0xFFFFFEF7, lr;
	s5 =	simm.s32 $0xFFFFFFFF;
	p2 =	slt.u32 s8, $0xFFFFF086  }
0x1c: {  	p1 =	slt.u32 s9, $0xF7A;
	s5 =	simm.s32 @!p2 $0x0  }
0x1d: {  	s5 =	simm.s32 @p1 $0x1;
	p0 =	seq.s32 s7, s2  }
0x1e: {  	s7 =	smul.u32 @!p0 $0xF7A, s2;
	p2 =	seq.s32 @!p0 s5, $0x0  }
0x1f: {  	s9 =	smul.u32 $0xF7A, s1;
	s8 =	simm.s32 @!p0 $0x1BF5;
	p2 =	por !p2, p0  }
0x20: {  	[sflag:s8] =	ssyncset.s32 @!p0 $0xFFFFF086;
	s6 =	sadd.s32 @!p0 s3, s7;
	s7 =	simm.s32 @!p0 $0x108  }
0x21: {  	s3 =	sadd.s32 s3, s9;
	s6 =	sadd.s32 @!p0 $0x88, s6;
	s7 =	simm.s32 @p2 $0x1082  }
0x22: {  	[simem:s7], [sflag:s8] =	dma.local @!p0 [hbm:s6], $0xF7A  }
0x23: {  	s9 =	sor.u32 $0xD0000000, s2;
	s6 =	simm.s32 $0x108;
	_ =	swait.ge @!p0 [sflag:s8], $0x0  }
0x24: {  	s3 =	sadd.s32 $0x88, s3;
	s6 =	simm.s32 @!p1 $0x1082;
	[sflag:s4] =	ssyncset.s32 $0xFFFFF086  }
0x25: {  	[simem:s6], [sflag:s4] =	dma.local [hbm:s3], $0xF7A  }
0x26: {  	[smem:$0x3F90] =	sst s1;
	(tag) =	ssettag s2;
	_ =	strace s9  }
0x27: {  	s1 =	sld [smem:$0x3FA0]  }
0x28: {  	s2 =	sld [smem:$0x3FA1]  }
0x29: {  	s4 =	sld [smem:$0x3FA3]  }
0x2a: {  	p0 =	seq.s32 s5, $0x0;
	s5 =	sld [smem:$0x3FA4]  }
0x2b: {  	s6 =	sld [smem:$0x3FA5]  }
0x2c: {  	s7 =	sld [smem:$0x3FA6]  }
0x2d: {  	s3 =	simm.s32 $0x108;
	s8 =	sld [smem:$0x3FA7]  }
0x2e: {  	s3 =	simm.s32 @!p0 $0x1082;
	s9 =	sld [smem:$0x3FA8]  }
0x2f: {  	lr =	sadd.s32 s0, s3;
	s0 =	sld [smem:$0x3F9F]  }
0x30: {  	s3 =	sld [smem:$0x3FA2]  }
0x31: {  	[smem:$0x3FAB] =	sst s10  }
0x32: {  	s10 =	sld [smem:$0x3FA9];
	_ =	sdelay $0x3  }
0x33: {  	p0 =	seq.s32 s10, $0x1;
	s10 =	sld [smem:$0x3FAB];
	_ =	sdelay $0x3  }
0x34: {  	[smem:$0x3FAB] =	sst s10  }
0x35: {  	s10 =	sld [smem:$0x3FAA];
	_ =	sdelay $0x3  }
0x36: {  	p1 =	seq.s32 s10, $0x1;
	s10 =	sld [smem:$0x3FAB];
	_ =	sdelay $0x3  }
0x37: {  	[smem:$0x3FAB] =	sst s10  }
0x38: {  	s10 =	sld [smem:$0x3FAC]  }
0x39: {  	_ = 	snop;
	(pc) =	sbr.ind lr, $3  }
0x3a: {  	_ = 	snop  }
0x3b: {  	_ = 	snop  }
0x3c: {  	p2 =	seq.s32 s10, $0x1;
	s10 =	sld [smem:$0x3FAB]  }
0x3d: {  	_ =	shalt  }
0x3e: {  	_ =	shalt  }
0x3f: {  	_ =	shalt  }
0x40: {  	_ =	shalt  }
0x41: {  	_ =	shalt  }
0x42: {  	_ =	shalt  }
0x43: {  	_ =	shalt  }
0x44: {  	_ =	shalt  }
0x45: {  	_ =	shalt  }
0x46: {  	_ =	shalt  }
0x47: {  	_ =	shalt  }
0x48: {  	_ =	shalt  }
0x49: {  	_ =	shalt  }
0x4a: {  	_ =	shalt  }
0x4b: {  	_ =	shalt  }
0x4c: {  	_ =	shalt  }
0x4d: {  	_ =	shalt  }
0x4e: {  	_ =	shalt  }
0x4f: {  	_ =	shalt  }
0x50: {  	_ =	shalt  }
0x51: {  	_ =	shalt  }
0x52: {  	_ =	shalt  }
0x53: {  	_ =	shalt  }
0x54: {  	_ =	shalt  }
0x55: {  	_ =	shalt  }
0x56: {  	_ =	shalt  }
0x57: {  	_ =	shalt  }
0x58: {  	_ =	shalt  }
0x59: {  	_ =	shalt  }
0x5a: {  	_ =	shalt  }
0x5b: {  	_ =	shalt  }
0x5c: {  	_ =	shalt  }
0x5d: {  	_ =	shalt  }
0x5e: {  	_ =	shalt  }
0x5f: {  	_ =	shalt  }
0x60: {  	_ =	shalt  }
0x61: {  	_ =	shalt  }
0x62: {  	_ =	shalt  }
0x63: {  	_ =	shalt  }
0x64: {  	_ =	shalt  }
0x65: {  	_ =	shalt  }
0x66: {  	_ =	shalt  }
0x67: {  	_ =	shalt  }
0x68: {  	_ =	shalt  }
0x69: {  	_ =	shalt  }
0x6a: {  	_ =	shalt  }
0x6b: {  	_ =	shalt  }
0x6c: {  	_ =	shalt  }
0x6d: {  	_ =	shalt  }
0x6e: {  	_ =	shalt  }
0x6f: {  	_ =	shalt  }
0x70: {  	_ =	shalt  }
0x71: {  	_ =	shalt  }
0x72: {  	_ =	shalt  }
0x73: {  	_ =	shalt  }
0x74: {  	_ =	shalt  }
0x75: {  	_ =	shalt  }
0x76: {  	_ =	shalt  }
0x77: {  	_ =	shalt  }
0x78: {  	_ =	shalt  }
0x79: {  	_ =	shalt  }
0x7a: {  	_ =	shalt  }
0x7b: {  	_ =	shalt  }
0x7c: {  	_ =	shalt  }
0x7d: {  	_ =	shalt  }
0x7e: {  	_ =	shalt  }
0x7f: {  	_ =	shalt  }
0x80: {  	_ =	shalt  }
0x81: {  	_ =	shalt  }
0x82: {  	_ =	shalt  }
0x83: {  	_ =	shalt  }
0x84: {  	_ =	shalt  }
0x85: {  	_ =	shalt  }
0x86: {  	_ =	shalt  }
0x87: {  	_ =	shalt  }
.Lfunc_end0:
.L_simem_size_0:
called_computation_lowered:
.L_overlay_start_0:
0x88: {  	s2 =	sld [smem:$0x3FD9]  }
0x89: {  	s3 =	sld [smem:$0x3FFE];
	_ =	sdelay $0x1  }
0x8a: {  	s1 =	srdreg.scid  }
0x8b: {  	s0 =	sand.u32 $0x1, s1  }
0x8c: {  	s17 =	sshll.u32 s0, $0xA;
	s2 =	sadd.s32 s3, s2  }
0x8d: {  	s2 =	sadd.s32 s2, s17  }
0x8e: {  	[smem:$0x3FB7] =	sst s2  }
0x8f: {  	_ = 	snop  }
0x90: {  	s2 =	sld [smem:$0x3FD0];
	(tm) =	ssettm $0x1  }
0x91: {  	s18 =	sld [smem:$0x3FFB];
	_ =	sdelay $0x3  }
0x92: {  	_ =	strace s18  }
0x93: {  	s3 =	sld [smem:$0x3FFC];
	_ =	sdelay $0x3  }
0x94: {  	_ =	strace s3  }
0x95: {  	s3 =	sld [smem:$0x3FFD];
	_ =	sdelay $0x3  }
0x96: {  	_ =	strace s3  }
0x97: {  	_ =	strace $0x8FFFFFFF  }
0x98: {  	s19 =	sld [smem:$0x3FDB];
	_ =	sdelay $0x1  }
0x99: {  	s4 =	simm.s32 $_scs_section_size  }
0x9a: {  	s5 =	simm.s32 $_size__tile_overlayer_lowered;
	s6 =	simm.s32 $_tile_overlayer_lowered  }
0x9b: {  	s22 =	simm.s32 $0x1BFF;
	s21 =	sshll.u32 s6, $0x1;
	s3 =	sadd.s32 s4, s19  }
0x9c: {  	s7 =	simm.s32 $0x0;
	s20 =	sshll.u32 s5, $0x1;
	s5 =	sadd.s32 s21, s3  }
0x9d: {  	[timem:s7], [sflag:s22] =	dma.local [hbm:s5], s20  }
0x9e: {  	_ =	swait.ge [sflag:s22], s20  }
0x9f: {  	s4 =	ssub.s32 $0x0, s20;
	[sflag:s22] =	ssyncset.done $0x0  }
0xa0: {  	[sflag:s22] =	ssyncadd.s32 s4;
	_ =	sdelay $0x1  }
0xa1: {  	s23 =	simm.s32 $0x1B8B  }
0xa2: {  	_ =	swait.ge [sflag:s23], $0x1  }
0xa3: {  	[sflag:s23] =	ssyncset.done $0x0  }
0xa4: {  	s25 =	simm.s32 $0x1B8E;
	s24 =	sld [smem:$0x3FFE];
	[sflag:s23] =	ssyncadd.s32 $0xFFFFFFFF  }
0xa5: {  	s26 =	simm.s32 $execute0_lowered;
	[smem:$0x3FD2] =	sst s25  }
0xa6: {  	s5 =	sshll.u32 s26, $0x1;
	_ =	strace $0x80000046;
	[dreg:$0x1] =	wrdreg $0xFFFFFFFF  }
0xa7: {  	s28 =	simm.s32 $_size_execute0_lowered;
	s3 =	sadd.s32 s3, s5;
	[dreg:$0x0] =	wrdreg $0x0  }
0xa8: {  	s5 =	sshll.u32 s28, $0x1;
	[dreg:$0x2] =	wrdreg s3  }
0xa9: {  	[dreg:$0x3] =	wrdreg s5  }
0xaa: {  	[dreg:$0x4] =	wrdreg $0xC0  }
0xab: {  	_ =	task [dreg:s7], $0x5FFFF  }
0xac: {  	[dreg:$0x1] =	wrdreg $0xFFFFFFFF  }
0xad: {  	[dreg:$0x0] =	wrdreg $0x60  }
0xae: {  	[dreg:$0x2] =	wrdreg s24  }
0xaf: {  	[dreg:$0x3] =	wrdreg s2  }
0xb0: {  	[dreg:$0x4] =	wrdreg $0x0  }
0xb1: {  	[dreg:$0x5] =	wrdreg $0x9  }
0xb2: {  	_ =	task.clear_ibuf [dreg:s7], $0x6FFFF;
	_ =	strace $0x90000046  }
0xb3: {  	s29 =	simm.s32 $0x9;
	_ =	strace $0x80000048  }
0xb4: {  	_ =	swait.ge [sflag:s29], $0x1  }
0xb5: {  	[sflag:s29] =	ssyncadd.s32 $0xFFFFFFFF  }
0xb6: {  	_ =	strace $0x90000048  }
0xb7: {  	_ =	sfence  }
0xb8: {  	s30 =	sld [smem:$0x0];
	_ =	sdelay $0x2  }
0xb9: {  	s31 =	sshll.u32 s1, $0xD;
	s1 =	sshrl.u32 s1, $0x2  }
0xba: {  	s3 =	sand.u32 $0x4000, s31;
	s1 =	sadd.s32 s1, s30  }
0xbb: {  	s0 =	sor.u32 s3, s0;
	s1 =	sshll.u32 s1, $0x11  }
0xbc: {  	s0 =	sor.u32 s1, s0  }
0xbd: {  	s0 =	sadd.s32 $0x8F2B, s0  }
0xbe: {  	[sflag:s0] =	ssyncadd.remote.s32 $0x1  }
0xbf: {  	_ =	sfence.sel $0xFFFF  }
0xc0: {  	[dreg:$0x0] =	wrdreg $0xFFFFFFFF;
	(pc) =	sbr.abs _section_cstart, $3  }
0xc1: {  	[dreg:$0x1] =	wrdreg $0xFFFFFFFF  }
0xc2: {  	_ =	task.clear_ibuf [dreg:s7], $0x2FFFF;
	_ =	strace $0x9FFFFFFF  }
0xc3: {  	(tm) =	ssettm $0x7FFFFFFF  }
tec
execute0_lowered:
.L_overlay_start_1:
0x0: {  	(tag) =	ssettag $0x1  }
0x1: {  	s0 =	rddreg [dreg:$0x0]  }
0x2: {  	s3 =	rddreg [dreg:$0x1];
	s1 =	srdreg.scid  }
0x3: {  	s4 =	stileid.u32;
	s2 =	rddreg [dreg:$0x2]  }
0x4: {  	s30 =	rddreg [dreg:$0x3];
	s11 =	simm.s32 $0xA0;
	s13 =	simm.s32 $0xE680  }
0x5: {  	s12 =	simm.s32 $0x13680;
	s14 =	simm.s32 $0x4;
	s10 =	simm.s32 $0x7  }
0x6: {  	p1 =	por $0x0, $0x0;
	s5 =	sand.u32 $0x1, s1;
	s6 =	sshll.u32 s4, $0x1  }
0x7: {  	s1 =	simm.s32 $0x0;
	s8 =	sadd.s32 $0x4000, s0;
	s0 =	sadd.s32 $0xC000, s0  }
0x8: {  	p0 =	sne.s32 s4, $0x0;
	s4 =	simm.s32 $0x6;
	s6 =	sor.u32 s5, s6  }
0x9: {  	[smem:$0x7FF] =	sst s1;
	s5 =	ssub.s32 $0x2, s5;
	s7 =	smul.u32 $0xC8, s6  }
0xa: {  	s28 =	sshrl.u32 @!p0 s2, $0x3;
	_ =	strace $0x80000047;
	s9 =	smul.u32 $0x32000, s6  }
0xb: {  	[dreg:$0x4] =	wrdreg s8;
	s6 =	smul.u32 $0x6400, s6;
	s25 =	sshrl.u32 s5, $0x1  }
0xc: {  	s8 =	simm.s32 $0x1;
	s26 =	ssub.s32 s5, s25;
	s25 =	simm.s32 $0x40A0  }
0xd: {  	s5 =	simm.s32 $0x9680;
	s3 =	sadd.s32 s3, s7;
	s15 =	sshrl.u32 s9, $0x3  }
0xe: {  	s16 =	sadd.s32 s0, s6;
	[dreg:$0x5] =	wrdreg s3;
	s0 =	sadd.s32 s0, s15  }
0xf: {  	s29 =	smax.u32 s26, $0x1;
	[dreg:$0x6] =	wrdreg s16;
	s17 =	sadd.s32 $0xA00, s0  }
0x10: {  	s6 =	simm.s32 $0x4680;
	s18 =	sadd.s32 $0x1400, s0;
	[dreg:$0x7] =	wrdreg s17  }
0x11: {  	s26 =	simm.s32 $0x4140;
	s19 =	sadd.s32 $0x1E00, s0;
	[dreg:$0x8] =	wrdreg s18  }
0x12: {  	s7 =	simm.s32 $0x2;
	s20 =	sadd.s32 $0x2800, s0;
	[dreg:$0x9] =	wrdreg s19  }
0x13: {  	s9 =	simm.s32 $0x8;
	s21 =	sadd.s32 $0x3200, s0;
	[dreg:$0xa] =	wrdreg s20  }
0x14: {  	s3 =	simm.s32 $0x5;
	s22 =	sadd.s32 $0x3C00, s0;
	[dreg:$0xb] =	wrdreg s21  }
0x15: {  	s31 =	sadd.s32 $0xFFFFFFFF, s29;
	s23 =	sadd.s32 $0x4600, s0;
	[dreg:$0xc] =	wrdreg s22  }
0x16: {  	s24 =	sadd.s32 $0x5000, s0;
	p2 =	sne.s32 s31, $0x0;
	[dreg:$0xd] =	wrdreg s23  }
.Ltmp0:
0x17: {  	s0 =	sadd.s32 $0x5A00, s0;
	[dreg:$0xe] =	wrdreg s24;
	(pc) =	sbr.rel @!p2 .LBB2_5-.Ltmp0, $4  }
0x18: {  	s15 =	simm.s32 $0x3;
	s16 =	simm.s32 $0x45A0;
	[dreg:$0xf] =	wrdreg s0  }
0x19: {  	s22 =	simm.s32 $0x4000;
	s24 =	simm.s32 $0x9;
	s23 =	simm.s32 $0x41E0  }
0x1a: {  	s21 =	simm.s32 $0x4280;
	s20 =	simm.s32 $0x4320;
	s19 =	simm.s32 $0x43C0  }
0x1b: {  	s18 =	simm.s32 $0x4460;
	s17 =	simm.s32 $0x4500;
	s0 =	rddreg [dreg:$0x4]  }
0x1c: {  	s29 =	simm.s32 @!p0 $0x1C09;
	s30 =	simm.s32 @!p0 $0x9  }
0x1d: {  	[spmem:s28], [sflag:s29] =	dma.local @!p0 [hbm:s0], $0x8000  }
0x1e: {  	_ =	swait.ge @!p0 [sflag:s30], $0x8000  }
0x1f: {  	[sflag:s30] =	ssyncset.done @!p0 $0x0  }
0x20: {  	[sflag:s30] =	ssyncadd.s32 @!p0 $0xFFFF8000  }
0x21: {  	[bflag:$0x0] =	sbarrier.arrive $0xFFFF  }
0x22: {  	s0 =	rddreg [dreg:$0x5]  }
0x23: {  	[tilespmem:s22], [sflag:$0x9] =	stream.linear.gather [hbm4b:s0+s1], $0x640, $0x38;
	[tilespmem:$0x18680] =	vst v63  }
0x24: {  	_ =	swait.ge [sflag:s24], $0x640  }
0x25: {  	[sflag:s24] =	ssyncset.done $0x0  }
0x26: {  	[sflag:s24] =	ssyncadd.s32 $0xFFFFF9C0  }
0x27: {  	[tilespmem:s6], [sflag:$0x1] =	stream.indirect.gather [spmem:s2], $0x80, s22, s11, $0xb8;
	[tilespmem:$0x18680] =	vst v63  }
0x28: {  	_ = 	snop  }
0x29: {  	[tilespmem:s5], [sflag:$0x2] =	stream.indirect.gather [spmem:s2], $0x80, s25, s11, $0xb8;
	[tilespmem:$0x18680] =	vst v63  }
0x2a: {  	_ = 	snop  }
0x2b: {  	[tilespmem:s13], [sflag:$0x3] =	stream.indirect.gather [spmem:s2], $0x80, s26, s11, $0xb8;
	[tilespmem:$0x18680] =	vst v63  }
0x2c: {  	_ =	swait.ge [sflag:s8], $0x5000  }
0x2d: {  	[sflag:s8] =	ssyncset.done $0x0  }
0x2e: {  	s0 =	rddreg [dreg:$0x6];
	[sflag:s8] =	ssyncadd.s32 $0xFFFFB000  }
0x2f: {  	[hbm4b:s0+s1] =	stream.linear.scatter [tilespmem:s6], [sflag:$0x5], $0x5000, $0x38;
	[tilespmem:$0x18680] =	vst v63  }
0x30: {  	_ = 	snop  }
0x31: {  	[tilespmem:s12], [sflag:$0x4] =	stream.indirect.gather [spmem:s2], $0x80, s23, s11, $0xb8;
	[tilespmem:$0x18680] =	vst v63  }
0x32: {  	_ =	swait.ge [sflag:s7], $0x5000  }
0x33: {  	[sflag:s7] =	ssyncset.done $0x0  }
0x34: {  	s0 =	rddreg [dreg:$0x7];
	[sflag:s7] =	ssyncadd.s32 $0xFFFFB000  }
0x35: {  	[hbm4b:s0+s1] =	stream.linear.scatter [tilespmem:s5], [sflag:$0x6], $0x5000, $0x38;
	[tilespmem:$0x18680] =	vst v63  }
0x36: {  	_ =	swait.ge [sflag:s3], $0x5000  }
0x37: {  	[sflag:s3] =	ssyncset.done $0x0  }
0x38: {  	[sflag:s3] =	ssyncadd.s32 $0xFFFFB000  }
0x39: {  	[tilespmem:s6], [sflag:$0x1] =	stream.indirect.gather [spmem:s2], $0x80, s21, s11, $0xb8;
	[tilespmem:$0x18680] =	vst v63  }
0x3a: {  	_ =	swait.ge [sflag:s15], $0x5000  }
0x3b: {  	[sflag:s15] =	ssyncset.done $0x0  }
0x3c: {  	s0 =	rddreg [dreg:$0x8];
	[sflag:s15] =	ssyncadd.s32 $0xFFFFB000  }
0x3d: {  	[hbm4b:s0+s1] =	stream.linear.scatter [tilespmem:s13], [sflag:$0x7], $0x5000, $0x38;
	[tilespmem:$0x18680] =	vst v63  }
0x3e: {  	_ =	swait.ge [sflag:s4], $0x5000  }
0x3f: {  	[sflag:s4] =	ssyncset.done $0x0  }
0x40: {  	[sflag:s4] =	ssyncadd.s32 $0xFFFFB000  }
0x41: {  	[tilespmem:s5], [sflag:$0x2] =	stream.indirect.gather [spmem:s2], $0x80, s20, s11, $0xb8;
	[tilespmem:$0x18680] =	vst v63  }
0x42: {  	_ =	swait.ge [sflag:s14], $0x5000  }
0x43: {  	[sflag:s14] =	ssyncset.done $0x0  }
0x44: {  	s0 =	rddreg [dreg:$0x9];
	[sflag:s14] =	ssyncadd.s32 $0xFFFFB000  }
0x45: {  	[hbm4b:s0+s1] =	stream.linear.scatter [tilespmem:s12], [sflag:$0x8], $0x5000, $0x38;
	[tilespmem:$0x18680] =	vst v63  }
0x46: {  	_ =	swait.ge [sflag:s10], $0x5000  }
0x47: {  	[sflag:s10] =	ssyncset.done $0x0  }
0x48: {  	[sflag:s10] =	ssyncadd.s32 $0xFFFFB000  }
0x49: {  	[tilespmem:s13], [sflag:$0x3] =	stream.indirect.gather [spmem:s2], $0x80, s19, s11, $0xb8;
	[tilespmem:$0x18680] =	vst v63  }
0x4a: {  	_ =	swait.ge [sflag:s8], $0x5000  }
0x4b: {  	[sflag:s8] =	ssyncset.done $0x0  }
0x4c: {  	s0 =	rddreg [dreg:$0xa];
	[sflag:s8] =	ssyncadd.s32 $0xFFFFB000  }
0x4d: {  	[hbm4b:s0+s1] =	stream.linear.scatter [tilespmem:s6], [sflag:$0x5], $0x5000, $0x38;
	[tilespmem:$0x18680] =	vst v63  }
0x4e: {  	_ =	swait.ge [sflag:s9], $0x5000  }
0x4f: {  	[sflag:s9] =	ssyncset.done $0x0  }
0x50: {  	[sflag:s9] =	ssyncadd.s32 $0xFFFFB000  }
0x51: {  	[tilespmem:s12], [sflag:$0x4] =	stream.indirect.gather [spmem:s2], $0x80, s18, s11, $0xb8;
	[tilespmem:$0x18680] =	vst v63  }
0x52: {  	_ =	swait.ge [sflag:s7], $0x5000  }
0x53: {  	[sflag:s7] =	ssyncset.done $0x0  }
0x54: {  	s0 =	rddreg [dreg:$0xb];
	[sflag:s7] =	ssyncadd.s32 $0xFFFFB000  }
0x55: {  	[hbm4b:s0+s1] =	stream.linear.scatter [tilespmem:s5], [sflag:$0x6], $0x5000, $0x38;
	[tilespmem:$0x18680] =	vst v63  }
0x56: {  	_ =	swait.ge [sflag:s3], $0x5000  }
0x57: {  	[sflag:s3] =	ssyncset.done $0x0  }
0x58: {  	[sflag:s3] =	ssyncadd.s32 $0xFFFFB000  }
0x59: {  	[tilespmem:s6], [sflag:$0x1] =	stream.indirect.gather [spmem:s2], $0x80, s17, s11, $0xb8;
	[tilespmem:$0x18680] =	vst v63  }
0x5a: {  	_ =	swait.ge [sflag:s15], $0x5000  }
0x5b: {  	[sflag:s15] =	ssyncset.done $0x0  }
0x5c: {  	s0 =	rddreg [dreg:$0xc];
	[sflag:s15] =	ssyncadd.s32 $0xFFFFB000  }
0x5d: {  	[hbm4b:s0+s1] =	stream.linear.scatter [tilespmem:s13], [sflag:$0x7], $0x5000, $0x38;
	[tilespmem:$0x18680] =	vst v63  }
0x5e: {  	_ =	swait.ge [sflag:s4], $0x5000  }
0x5f: {  	[sflag:s4] =	ssyncset.done $0x0  }
0x60: {  	[sflag:s4] =	ssyncadd.s32 $0xFFFFB000  }
0x61: {  	[tilespmem:s5], [sflag:$0x2] =	stream.indirect.gather [spmem:s2], $0x80, s16, s11, $0xb8;
	[tilespmem:$0x18680] =	vst v63  }
0x62: {  	_ =	swait.ge [sflag:s14], $0x5000  }
0x63: {  	[sflag:s14] =	ssyncset.done $0x0  }
0x64: {  	s0 =	rddreg [dreg:$0xd];
	[sflag:s14] =	ssyncadd.s32 $0xFFFFB000  }
0x65: {  	[hbm4b:s0+s1] =	stream.linear.scatter [tilespmem:s12], [sflag:$0x8], $0x5000, $0x38;
	[tilespmem:$0x18680] =	vst v63  }
0x66: {  	_ =	swait.ge [sflag:s8], $0x5000  }
0x67: {  	[sflag:s8] =	ssyncset.done $0x0  }
0x68: {  	s0 =	rddreg [dreg:$0xe];
	[sflag:s8] =	ssyncadd.s32 $0xFFFFB000  }
0x69: {  	[hbm4b:s0+s1] =	stream.linear.scatter [tilespmem:s6], [sflag:$0x5], $0x5000, $0x38;
	[tilespmem:$0x18680] =	vst v63  }
0x6a: {  	_ =	swait.ge [sflag:s7], $0x5000  }
0x6b: {  	[sflag:s7] =	ssyncset.done $0x0  }
0x6c: {  	s0 =	rddreg [dreg:$0xf];
	[sflag:s7] =	ssyncadd.s32 $0xFFFFB000  }
0x6d: {  	[hbm4b:s0+s1] =	stream.linear.scatter [tilespmem:s5], [sflag:$0x6], $0x5000, $0x38;
	[tilespmem:$0x18680] =	vst v63  }
0x6e: {  	_ =	swait.ge [sflag:s10], $0x5000  }
0x6f: {  	[sflag:s10] =	ssyncset.done $0x0  }
0x70: {  	[sflag:s10] =	ssyncadd.s32 $0xFFFFB000  }
0x71: {  	_ =	swait.ge [sflag:s9], $0x5000  }
0x72: {  	s31 =	sadd.s32 $0xFFFFFFFF, s31;
	[sflag:s9] =	ssyncset.done $0x0  }
0x73: {  	p2 =	sne.s32 s31, $0x0;
	[sflag:s9] =	ssyncadd.s32 $0xFFFFB000  }
.Ltmp1:
0x74: {  	_ =	swait.ge [sflag:s3], $0x5000;
	(pc) =	sbr.rel @!p2 .LBB2_2-.Ltmp1, $4  }
0x75: {  	[sflag:s3] =	ssyncset.done $0x0  }
0x76: {  	[sflag:s3] =	ssyncadd.s32 $0xFFFFB000  }
0x77: {  	_ =	swait.ge [sflag:s4], $0x5000  }
0x78: {  	p1 =	por $0x1, $0x1;
	s0 =	rddreg [dreg:$0x4];
	[sflag:s4] =	ssyncset.done $0x0  }
.LBB2_3:
0x79: {  	[sflag:s4] =	ssyncadd.s32 $0xFFFFB000  }
0x7a: {  	[spmem:s28], [sflag:s29] =	dma.local @!p0 [hbm:s0], $0x8000  }
0x7b: {  	_ =	swait.ge @!p0 [sflag:s30], $0x8000  }
0x7c: {  	[sflag:s30] =	ssyncset.done @!p0 $0x0  }
0x7d: {  	[sflag:s30] =	ssyncadd.s32 @!p0 $0xFFFF8000  }
0x7e: {  	[bflag:$0x0] =	sbarrier.arrive $0xFFFF  }
0x7f: {  	s0 =	rddreg [dreg:$0x5]  }
0x80: {  	[tilespmem:s22], [sflag:$0x9] =	stream.linear.gather [hbm4b:s0+s1], $0x640, $0x38;
	[tilespmem:$0x18680] =	vst v63  }
0x81: {  	_ =	swait.ge [sflag:s24], $0x640  }
0x82: {  	[sflag:s24] =	ssyncset.done $0x0  }
0x83: {  	[sflag:s24] =	ssyncadd.s32 $0xFFFFF9C0  }
0x84: {  	[tilespmem:s6], [sflag:$0x1] =	stream.indirect.gather [spmem:s2], $0x80, s22, s11, $0xb8;
	[tilespmem:$0x18680] =	vst v63  }
0x85: {  	_ = 	snop  }
0x86: {  	[tilespmem:s5], [sflag:$0x2] =	stream.indirect.gather [spmem:s2], $0x80, s25, s11, $0xb8;
	[tilespmem:$0x18680] =	vst v63  }
0x87: {  	_ = 	snop  }
0x88: {  	[tilespmem:s13], [sflag:$0x3] =	stream.indirect.gather [spmem:s2], $0x80, s26, s11, $0xb8;
	[tilespmem:$0x18680] =	vst v63  }
0x89: {  	_ =	swait.ge [sflag:s8], $0x5000  }
0x8a: {  	[sflag:s8] =	ssyncset.done $0x0  }
0x8b: {  	s0 =	rddreg [dreg:$0x6];
	[sflag:s8] =	ssyncadd.s32 $0xFFFFB000  }
0x8c: {  	[hbm4b:s0+s1] =	stream.linear.scatter [tilespmem:s6], [sflag:$0x5], $0x5000, $0x38;
	[tilespmem:$0x18680] =	vst v63  }
0x8d: {  	_ = 	snop  }
0x8e: {  	[tilespmem:s12], [sflag:$0x4] =	stream.indirect.gather [spmem:s2], $0x80, s23, s11, $0xb8;
	[tilespmem:$0x18680] =	vst v63  }
0x8f: {  	_ =	swait.ge [sflag:s7], $0x5000  }
0x90: {  	[sflag:s7] =	ssyncset.done $0x0  }
0x91: {  	s0 =	rddreg [dreg:$0x7];
	[sflag:s7] =	ssyncadd.s32 $0xFFFFB000  }
0x92: {  	[hbm4b:s0+s1] =	stream.linear.scatter [tilespmem:s5], [sflag:$0x6], $0x5000, $0x38;
	[tilespmem:$0x18680] =	vst v63  }
0x93: {  	_ =	swait.ge [sflag:s3], $0x5000  }
0x94: {  	[sflag:s3] =	ssyncset.done $0x0  }
0x95: {  	[sflag:s3] =	ssyncadd.s32 $0xFFFFB000  }
0x96: {  	[tilespmem:s6], [sflag:$0x1] =	stream.indirect.gather [spmem:s2], $0x80, s21, s11, $0xb8;
	[tilespmem:$0x18680] =	vst v63  }
0x97: {  	_ =	swait.ge [sflag:s15], $0x5000  }
0x98: {  	[sflag:s15] =	ssyncset.done $0x0  }
0x99: {  	s0 =	rddreg [dreg:$0x8];
	[sflag:s15] =	ssyncadd.s32 $0xFFFFB000  }
0x9a: {  	[hbm4b:s0+s1] =	stream.linear.scatter [tilespmem:s13], [sflag:$0x7], $0x5000, $0x38;
	[tilespmem:$0x18680] =	vst v63  }
0x9b: {  	_ =	swait.ge [sflag:s4], $0x5000  }
0x9c: {  	[sflag:s4] =	ssyncset.done $0x0  }
0x9d: {  	[sflag:s4] =	ssyncadd.s32 $0xFFFFB000  }
0x9e: {  	[tilespmem:s5], [sflag:$0x2] =	stream.indirect.gather [spmem:s2], $0x80, s20, s11, $0xb8;
	[tilespmem:$0x18680] =	vst v63  }
0x9f: {  	_ =	swait.ge [sflag:s14], $0x5000  }
0xa0: {  	[sflag:s14] =	ssyncset.done $0x0  }
0xa1: {  	s0 =	rddreg [dreg:$0x9];
	[sflag:s14] =	ssyncadd.s32 $0xFFFFB000  }
0xa2: {  	[hbm4b:s0+s1] =	stream.linear.scatter [tilespmem:s12], [sflag:$0x8], $0x5000, $0x38;
	[tilespmem:$0x18680] =	vst v63  }
0xa3: {  	_ =	swait.ge [sflag:s10], $0x5000  }
0xa4: {  	[sflag:s10] =	ssyncset.done $0x0  }
0xa5: {  	[sflag:s10] =	ssyncadd.s32 $0xFFFFB000  }
0xa6: {  	[tilespmem:s13], [sflag:$0x3] =	stream.indirect.gather [spmem:s2], $0x80, s19, s11, $0xb8;
	[tilespmem:$0x18680] =	vst v63  }
0xa7: {  	_ =	swait.ge [sflag:s8], $0x5000  }
0xa8: {  	[sflag:s8] =	ssyncset.done $0x0  }
0xa9: {  	s0 =	rddreg [dreg:$0xa];
	[sflag:s8] =	ssyncadd.s32 $0xFFFFB000  }
0xaa: {  	[hbm4b:s0+s1] =	stream.linear.scatter [tilespmem:s6], [sflag:$0x5], $0x5000, $0x38;
	[tilespmem:$0x18680] =	vst v63  }
0xab: {  	_ =	swait.ge [sflag:s9], $0x5000  }
0xac: {  	[sflag:s9] =	ssyncset.done $0x0  }
0xad: {  	[sflag:s9] =	ssyncadd.s32 $0xFFFFB000  }
0xae: {  	[tilespmem:s12], [sflag:$0x4] =	stream.indirect.gather [spmem:s2], $0x80, s18, s11, $0xb8;
	[tilespmem:$0x18680] =	vst v63  }
0xaf: {  	_ =	swait.ge [sflag:s7], $0x5000  }
0xb0: {  	[sflag:s7] =	ssyncset.done $0x0  }
0xb1: {  	s0 =	rddreg [dreg:$0xb];
	[sflag:s7] =	ssyncadd.s32 $0xFFFFB000  }
0xb2: {  	[hbm4b:s0+s1] =	stream.linear.scatter [tilespmem:s5], [sflag:$0x6], $0x5000, $0x38;
	[tilespmem:$0x18680] =	vst v63  }
0xb3: {  	_ =	swait.ge [sflag:s3], $0x5000  }
0xb4: {  	[sflag:s3] =	ssyncset.done $0x0  }
0xb5: {  	[sflag:s3] =	ssyncadd.s32 $0xFFFFB000  }
0xb6: {  	[tilespmem:s6], [sflag:$0x1] =	stream.indirect.gather [spmem:s2], $0x80, s17, s11, $0xb8;
	[tilespmem:$0x18680] =	vst v63  }
0xb7: {  	_ =	swait.ge [sflag:s15], $0x5000  }
0xb8: {  	[sflag:s15] =	ssyncset.done $0x0  }
0xb9: {  	s0 =	rddreg [dreg:$0xc];
	[sflag:s15] =	ssyncadd.s32 $0xFFFFB000  }
0xba: {  	[hbm4b:s0+s1] =	stream.linear.scatter [tilespmem:s13], [sflag:$0x7], $0x5000, $0x38;
	[tilespmem:$0x18680] =	vst v63  }
0xbb: {  	_ =	swait.ge [sflag:s4], $0x5000  }
0xbc: {  	[sflag:s4] =	ssyncset.done $0x0  }
0xbd: {  	[sflag:s4] =	ssyncadd.s32 $0xFFFFB000  }
0xbe: {  	[tilespmem:s5], [sflag:$0x2] =	stream.indirect.gather [spmem:s2], $0x80, s16, s11, $0xb8;
	[tilespmem:$0x18680] =	vst v63  }
0xbf: {  	_ =	swait.ge [sflag:s14], $0x5000  }
0xc0: {  	[sflag:s14] =	ssyncset.done $0x0  }
0xc1: {  	s0 =	rddreg [dreg:$0xd];
	[sflag:s14] =	ssyncadd.s32 $0xFFFFB000  }
0xc2: {  	[hbm4b:s0+s1] =	stream.linear.scatter [tilespmem:s12], [sflag:$0x8], $0x5000, $0x38;
	[tilespmem:$0x18680] =	vst v63  }
0xc3: {  	_ =	swait.ge [sflag:s8], $0x5000  }
0xc4: {  	[sflag:s8] =	ssyncset.done $0x0  }
0xc5: {  	s0 =	rddreg [dreg:$0xe];
	[sflag:s8] =	ssyncadd.s32 $0xFFFFB000  }
0xc6: {  	[hbm4b:s0+s1] =	stream.linear.scatter [tilespmem:s6], [sflag:$0x5], $0x5000, $0x38;
	[tilespmem:$0x18680] =	vst v63  }
0xc7: {  	_ =	swait.ge [sflag:s7], $0x5000  }
0xc8: {  	[sflag:s7] =	ssyncset.done $0x0  }
0xc9: {  	s0 =	rddreg [dreg:$0xf];
	[sflag:s7] =	ssyncadd.s32 $0xFFFFB000  }
0xca: {  	[hbm4b:s0+s1] =	stream.linear.scatter [tilespmem:s5], [sflag:$0x6], $0x5000, $0x38;
	[tilespmem:$0x18680] =	vst v63  }
0xcb: {  	_ =	swait.ge [sflag:s10], $0x5000  }
0xcc: {  	[sflag:s10] =	ssyncset.done $0x0  }
0xcd: {  	[sflag:s10] =	ssyncadd.s32 $0xFFFFB000  }
0xce: {  	_ =	swait.ge [sflag:s9], $0x5000  }
0xcf: {  	s31 =	sadd.s32 $0xFFFFFFFF, s31;
	[sflag:s9] =	ssyncset.done $0x0  }
0xd0: {  	p2 =	sne.s32 s31, $0x0;
	[sflag:s9] =	ssyncadd.s32 $0xFFFFB000  }
.Ltmp2:
0xd1: {  	_ =	swait.ge [sflag:s3], $0x5000;
	(pc) =	sbr.rel @p2 .LBB2_3-.Ltmp2, $4  }
0xd2: {  	[sflag:s3] =	ssyncset.done $0x0  }
0xd3: {  	[sflag:s3] =	ssyncadd.s32 $0xFFFFB000  }
0xd4: {  	_ =	swait.ge [sflag:s4], $0x5000  }
0xd5: {  	s0 =	rddreg [dreg:$0x4];
	[sflag:s4] =	ssyncset.done $0x0  }
0xd6: {  	s30 =	rddreg [dreg:$0x3]  }
.LBB2_5:
0xd7: {  	[sflag:s4] =	ssyncadd.s32 @p1 $0xFFFFB000;
	s29 =	simm.s32 @!p0 $0x1C09  }
0xd8: {  	[spmem:s28], [sflag:s29] =	dma.local @!p0 [hbm:s0], $0x8000  }
0xd9: {  	s0 =	simm.s32 @!p0 $0x9  }
0xda: {  	_ =	swait.ge @!p0 [sflag:s0], $0x8000  }
0xdb: {  	[sflag:s0] =	ssyncset.done @!p0 $0x0  }
0xdc: {  	[sflag:s0] =	ssyncadd.s32 @!p0 $0xFFFF8000  }
0xdd: {  	[bflag:$0x0] =	sbarrier.arrive $0xFFFF  }
0xde: {  	s28 =	rddreg [dreg:$0x5]  }
0xdf: {  	[tilespmem:s22], [sflag:$0x9] =	stream.linear.gather [hbm4b:s28+s1], $0x640, $0x38;
	[tilespmem:$0x18680] =	vst v63  }
0xe0: {  	_ =	swait.ge [sflag:s24], $0x640  }
0xe1: {  	[sflag:s24] =	ssyncset.done $0x0  }
0xe2: {  	[sflag:s24] =	ssyncadd.s32 $0xFFFFF9C0  }
0xe3: {  	[tilespmem:s6], [sflag:$0x1] =	stream.indirect.gather [spmem:s2], $0x80, s22, s11, $0xb8;
	[tilespmem:$0x18680] =	vst v63  }
0xe4: {  	_ = 	snop  }
0xe5: {  	[tilespmem:s5], [sflag:$0x2] =	stream.indirect.gather [spmem:s2], $0x80, s25, s11, $0xb8;
	[tilespmem:$0x18680] =	vst v63  }
0xe6: {  	_ = 	snop  }
0xe7: {  	[tilespmem:s13], [sflag:$0x3] =	stream.indirect.gather [spmem:s2], $0x80, s26, s11, $0xb8;
	[tilespmem:$0x18680] =	vst v63  }
0xe8: {  	_ =	swait.ge [sflag:s8], $0x5000  }
0xe9: {  	[sflag:s8] =	ssyncset.done $0x0  }
0xea: {  	s29 =	rddreg [dreg:$0x6];
	[sflag:s8] =	ssyncadd.s32 $0xFFFFB000  }
0xeb: {  	[hbm4b:s29+s1] =	stream.linear.scatter [tilespmem:s6], [sflag:$0x5], $0x5000, $0x38;
	[tilespmem:$0x18680] =	vst v63  }
0xec: {  	_ = 	snop  }
0xed: {  	[tilespmem:s12], [sflag:$0x4] =	stream.indirect.gather [spmem:s2], $0x80, s23, s11, $0xb8;
	[tilespmem:$0x18680] =	vst v63  }
0xee: {  	_ =	swait.ge [sflag:s7], $0x5000  }
0xef: {  	[sflag:s7] =	ssyncset.done $0x0  }
0xf0: {  	s31 =	rddreg [dreg:$0x7];
	[sflag:s7] =	ssyncadd.s32 $0xFFFFB000  }
0xf1: {  	[hbm4b:s31+s1] =	stream.linear.scatter [tilespmem:s5], [sflag:$0x6], $0x5000, $0x38;
	[tilespmem:$0x18680] =	vst v63  }
0xf2: {  	_ =	swait.ge [sflag:s3], $0x5000  }
0xf3: {  	[sflag:s3] =	ssyncset.done $0x0  }
0xf4: {  	[sflag:s3] =	ssyncadd.s32 $0xFFFFB000  }
0xf5: {  	[tilespmem:s6], [sflag:$0x1] =	stream.indirect.gather [spmem:s2], $0x80, s21, s11, $0xb8;
	[tilespmem:$0x18680] =	vst v63  }
0xf6: {  	_ =	swait.ge [sflag:s15], $0x5000  }
0xf7: {  	[sflag:s15] =	ssyncset.done $0x0  }
0xf8: {  	s22 =	rddreg [dreg:$0x8];
	[sflag:s15] =	ssyncadd.s32 $0xFFFFB000  }
0xf9: {  	[hbm4b:s22+s1] =	stream.linear.scatter [tilespmem:s13], [sflag:$0x7], $0x5000, $0x38;
	[tilespmem:$0x18680] =	vst v63  }
0xfa: {  	_ =	swait.ge [sflag:s4], $0x5000  }
0xfb: {  	[sflag:s4] =	ssyncset.done $0x0  }
0xfc: {  	[sflag:s4] =	ssyncadd.s32 $0xFFFFB000  }
0xfd: {  	[tilespmem:s5], [sflag:$0x2] =	stream.indirect.gather [spmem:s2], $0x80, s20, s11, $0xb8;
	[tilespmem:$0x18680] =	vst v63  }
0xfe: {  	_ =	swait.ge [sflag:s14], $0x5000  }
0xff: {  	[sflag:s14] =	ssyncset.done $0x0  }
0x100: {  	s23 =	rddreg [dreg:$0x9];
	[sflag:s14] =	ssyncadd.s32 $0xFFFFB000  }
0x101: {  	[hbm4b:s23+s1] =	stream.linear.scatter [tilespmem:s12], [sflag:$0x8], $0x5000, $0x38;
	[tilespmem:$0x18680] =	vst v63  }
0x102: {  	_ =	swait.ge [sflag:s10], $0x5000  }
0x103: {  	[sflag:s10] =	ssyncset.done $0x0  }
0x104: {  	[sflag:s10] =	ssyncadd.s32 $0xFFFFB000  }
0x105: {  	[tilespmem:s13], [sflag:$0x3] =	stream.indirect.gather [spmem:s2], $0x80, s19, s11, $0xb8;
	[tilespmem:$0x18680] =	vst v63  }
0x106: {  	_ =	swait.ge [sflag:s8], $0x5000  }
0x107: {  	[sflag:s8] =	ssyncset.done $0x0  }
0x108: {  	s24 =	rddreg [dreg:$0xa];
	[sflag:s8] =	ssyncadd.s32 $0xFFFFB000  }
0x109: {  	[hbm4b:s24+s1] =	stream.linear.scatter [tilespmem:s6], [sflag:$0x5], $0x5000, $0x38;
	[tilespmem:$0x18680] =	vst v63  }
0x10a: {  	_ =	swait.ge [sflag:s9], $0x5000  }
0x10b: {  	[sflag:s9] =	ssyncset.done $0x0  }
0x10c: {  	[sflag:s9] =	ssyncadd.s32 $0xFFFFB000  }
0x10d: {  	[tilespmem:s12], [sflag:$0x4] =	stream.indirect.gather [spmem:s2], $0x80, s18, s11, $0xb8;
	[tilespmem:$0x18680] =	vst v63  }
0x10e: {  	_ =	swait.ge [sflag:s7], $0x5000  }
0x10f: {  	[sflag:s7] =	ssyncset.done $0x0  }
0x110: {  	s25 =	rddreg [dreg:$0xb];
	[sflag:s7] =	ssyncadd.s32 $0xFFFFB000  }
0x111: {  	[hbm4b:s25+s1] =	stream.linear.scatter [tilespmem:s5], [sflag:$0x6], $0x5000, $0x38;
	[tilespmem:$0x18680] =	vst v63  }
0x112: {  	_ =	swait.ge [sflag:s3], $0x5000  }
0x113: {  	[sflag:s3] =	ssyncset.done $0x0  }
0x114: {  	[sflag:s3] =	ssyncadd.s32 $0xFFFFB000  }
0x115: {  	[tilespmem:s6], [sflag:$0x1] =	stream.indirect.gather [spmem:s2], $0x80, s17, s11, $0xb8;
	[tilespmem:$0x18680] =	vst v63  }
0x116: {  	_ =	swait.ge [sflag:s15], $0x5000  }
0x117: {  	[sflag:s15] =	ssyncset.done $0x0  }
0x118: {  	s26 =	rddreg [dreg:$0xc];
	[sflag:s15] =	ssyncadd.s32 $0xFFFFB000  }
0x119: {  	[hbm4b:s26+s1] =	stream.linear.scatter [tilespmem:s13], [sflag:$0x7], $0x5000, $0x38;
	[tilespmem:$0x18680] =	vst v63  }
0x11a: {  	_ =	swait.ge [sflag:s4], $0x5000  }
0x11b: {  	[sflag:s4] =	ssyncset.done $0x0  }
0x11c: {  	[sflag:s4] =	ssyncadd.s32 $0xFFFFB000  }
0x11d: {  	[tilespmem:s5], [sflag:$0x2] =	stream.indirect.gather [spmem:s2], $0x80, s16, s11, $0xb8;
	[tilespmem:$0x18680] =	vst v63  }
0x11e: {  	_ =	swait.ge [sflag:s14], $0x5000  }
0x11f: {  	[sflag:s14] =	ssyncset.done $0x0  }
0x120: {  	s28 =	rddreg [dreg:$0xd];
	[sflag:s14] =	ssyncadd.s32 $0xFFFFB000  }
0x121: {  	[hbm4b:s28+s1] =	stream.linear.scatter [tilespmem:s12], [sflag:$0x8], $0x5000, $0x38;
	[tilespmem:$0x18680] =	vst v63  }
0x122: {  	_ =	swait.ge [sflag:s8], $0x5000  }
0x123: {  	[sflag:s8] =	ssyncset.done $0x0  }
0x124: {  	s29 =	rddreg [dreg:$0xe];
	[sflag:s8] =	ssyncadd.s32 $0xFFFFB000  }
0x125: {  	[hbm4b:s29+s1] =	stream.linear.scatter [tilespmem:s6], [sflag:$0x5], $0x5000, $0x38;
	[tilespmem:$0x18680] =	vst v63  }
0x126: {  	_ =	swait.ge [sflag:s7], $0x5000  }
0x127: {  	[sflag:s7] =	ssyncset.done $0x0  }
0x128: {  	s31 =	rddreg [dreg:$0xf];
	[sflag:s7] =	ssyncadd.s32 $0xFFFFB000  }
0x129: {  	[hbm4b:s31+s1] =	stream.linear.scatter [tilespmem:s5], [sflag:$0x6], $0x5000, $0x38;
	[tilespmem:$0x18680] =	vst v63  }
0x12a: {  	_ =	swait.ge [sflag:s10], $0x5000  }
0x12b: {  	[sflag:s10] =	ssyncset.done $0x0  }
0x12c: {  	[sflag:s10] =	ssyncadd.s32 $0xFFFFB000  }
0x12d: {  	_ =	swait.ge [sflag:s9], $0x5000  }
0x12e: {  	[sflag:s9] =	ssyncset.done $0x0  }
0x12f: {  	[sflag:s9] =	ssyncadd.s32 $0xFFFFB000  }
0x130: {  	_ =	swait.ge [sflag:s3], $0x5000  }
0x131: {  	[sflag:s3] =	ssyncset.done $0x0  }
0x132: {  	[sflag:s3] =	ssyncadd.s32 $0xFFFFB000  }
0x133: {  	_ =	swait.ge [sflag:s4], $0x5000  }
0x134: {  	[sflag:s4] =	ssyncset.done $0x0  }
0x135: {  	[sflag:s4] =	ssyncadd.s32 $0xFFFFB000  }
0x136: {  	_ =	sfence.sel $0x180000  }
0x137: {  	[bflag:$0x0] =	sbarrier.arrive $0xFFFF  }
0x138: {  	_ =	strace $0x90000047  }
0x139: {  	s0 =	sadd.s32 @!p0 $0x100000, s30;
	[bflag:$0x2] =	sbarrier.arrive $0xFFFF  }
0x13a: {  	[sflag:s0] =	ssyncadd.tile.s32 @!p0 $0x1;
	_ =	shalt  }
.LBB2_2:
.Ltmp3:
0x13b: {  	(pc) =	sbr.rel .LBB2_5-.Ltmp3, $2  }
0x13c: {  	_ =	sdelay $0x2  }
0x13d: {  	s30 =	rddreg [dreg:$0x3]  }
.Lfunc_end2:
_tile_overlayer_lowered:
.L_overlay_start_2:
0x13e: {  	(tag) =	ssettag $0x2  }
0x13f: {  	s0 =	rddreg [dreg:$0x0];
	s2 =	stileid.u32  }
0x140: {  	s1 =	rddreg [dreg:$0x1];
	p0 =	sne.s32 s2, $0x0  }
0x141: {  	s3 =	rddreg [dreg:$0x2];
	[bflag:$0x3] =	sbarrier.arrive $0xFFFF;
	s2 =	simm.s32 @!p0 $0x1C09  }
0x142: {  	[timem:s3], [sflag:s2] =	dma.local @!p0 [hbm:s0], s1  }
0x143: {  	s0 =	simm.s32 @!p0 $0x9  }
0x144: {  	_ =	swait.ge @!p0 [sflag:s0], s1  }
0x145: {  	s1 =	ssub.s32 @!p0 $0x0, s1;
	[sflag:s0] =	ssyncset.done @!p0 $0x0  }
0x146: {  	[sflag:s0] =	ssyncadd.s32 @!p0 s1  }
0x147: {  	[bflag:$0x3] =	sbarrier.arrive $0xFFFF  }
0x148: {  	_ =	shalt  }

</sc_bundles>
